<compile_context>
chip_gen: v7x
topology: tpu7x:2x2x1
jax: 0.10.2.dev20260603
libtpu: 0.0.44.dev20260713+nightly
codegen_flags: <defaults>
</compile_context>

<pallas_src>
import functools

import jax
import jax.numpy as jnp
from jax import lax
from jax.experimental import pallas as pl
from jax.experimental.pallas import tpu as pltpu
from jax.experimental.pallas import tpu_sc as plsc

H = 4096
W = 4096
Q = 1048576

_info = plsc.get_sparse_core_info()
_NC, _NS, _L = _info.num_cores, _info.num_subcores, _info.num_lanes
_NW = _NC * _NS

_C = 2048
_QPW = Q // _NW
_NCHUNK = _QPW // _C
_NPAIR = _NCHUNK // 2


_TB = 256


def _detile_block(i_ref, o_ref):
    o_ref[...] = i_ref[...].reshape(_TB * W)


def _tc_detile(grid):
    return pl.pallas_call(
        _detile_block,
        grid=(H // _TB,),
        in_specs=[pl.BlockSpec((_TB, W), lambda i: (i, 0))],
        out_specs=pl.BlockSpec((_TB * W,), lambda i: (i,)),
        out_shape=jax.ShapeDtypeStruct((H * W,), jnp.float32),
    )(grid)


def _sc_interp(qy_hbm, qx_hbm, grid_hbm, pars_hbm, out_hbm,
               pv,
               qy0, qy1, qx0, qx1, ix0, ix1, cv0, cv1, aw0, aw1, ov0, ov1,
               sq0, sq1, sg0, sg1, so0, so1):
    wid = lax.axis_index("s") * _NC + lax.axis_index("c")
    wbase = wid * _QPW
    lanes2 = lax.iota(jnp.int32, _L) * 2

    pltpu.sync_copy(pars_hbm, pv)
    oy = pv[pl.ds(0, _L)]
    sy = pv[pl.ds(_L, _L)]
    ox = pv[pl.ds(2 * _L, _L)]
    sx = pv[pl.ds(3 * _L, _L)]

    bufs = ((qy0, qx0, ix0, cv0, aw0, ov0, sq0, sg0, so0),
            (qy1, qx1, ix1, cv1, aw1, ov1, sq1, sg1, so1))

    def yslice(c):
        return qy_hbm.at[pl.ds(wbase + c * _C, _C)]

    def xslice(c):
        return qx_hbm.at[pl.ds(wbase + c * _C, _C)]

    def fire_qload(c, b):
        qyv, qxv, _, _, _, _, sq, _, _ = bufs[b]
        pltpu.async_copy(yslice(c), qyv, sq)
        pltpu.async_copy(xslice(c), qxv, sq)

    def compute_and_fire(c, b):
        qyv, qxv, ix, cv, aw, _, sq, sg, _ = bufs[b]
        pltpu.make_async_copy(yslice(c), qyv, sq).wait()
        pltpu.make_async_copy(xslice(c), qxv, sq).wait()

        @plsc.parallel_loop(0, _C // _L, unroll=4)
        def _(j):
            o16 = j * _L
            y = qyv[pl.ds(o16, _L)]
            x = qxv[pl.ds(o16, _L)]
            qyf = (y - oy) * sy
            qxf = (x - ox) * sx
            yi = jnp.minimum(jnp.maximum(qyf.astype(jnp.int32), 0), H - 2)
            xi = jnp.minimum(jnp.maximum(qxf.astype(jnp.int32), 0), W - 2)
            ay = jnp.minimum(jnp.maximum(qyf - yi.astype(jnp.float32), 0.0), 1.0)
            ax = jnp.minimum(jnp.maximum(qxf - xi.astype(jnp.float32), 0.0), 1.0)
            lin = lax.shift_left(yi, 12) + xi
            o = j * _L
            pi = j * (2 * _L) + lanes2
            plsc.store_scatter(ix, [pi], lin)
            plsc.store_scatter(ix, [pi + 1], lin + 1)
            plsc.store_scatter(ix, [2 * _C + pi], lin + W)
            plsc.store_scatter(ix, [2 * _C + pi + 1], lin + (W + 1))
            aw[pl.ds(o, _L)] = ax
            aw[pl.ds(_C + o, _L)] = ay

        for k in range(4):
            sl = pl.ds(k * _C, _C)
            pltpu.async_copy(grid_hbm.at[ix.at[sl]], cv.at[sl], sg)

    def combine_and_store(c, b):
        _, _, ix, cv, aw, ov, _, sg, so = bufs[b]
        for k in range(4):
            sl = pl.ds(k * _C, _C)
            pltpu.make_async_copy(grid_hbm.at[ix.at[sl]], cv.at[sl], sg).wait()

        @pl.when(c >= 2)
        def _():
            pltpu.make_async_copy(ov, out_hbm.at[pl.ds(wbase, _C)], so).wait()

        @plsc.parallel_loop(0, _C // _L, unroll=4)
        def _(j):
            o = j * _L
            pi = j * (2 * _L) + lanes2
            tl = plsc.load_gather(cv, [pi])
            tr = plsc.load_gather(cv, [pi + 1])
            bl = plsc.load_gather(cv, [2 * _C + pi])
            br = plsc.load_gather(cv, [2 * _C + pi + 1])
            ax = aw[pl.ds(o, _L)]
            ay = aw[pl.ds(_C + o, _L)]
            top = ax * (tr - tl) + tl
            bot = ax * (br - bl) + bl
            ov[pl.ds(o, _L)] = ay * (bot - top) + top

        pltpu.async_copy(ov, out_hbm.at[pl.ds(wbase + c * _C, _C)], so)

    fire_qload(0, 0)
    compute_and_fire(0, 0)
    fire_qload(1, 1)

    def pair_body(g, _):
        c1 = 2 * g + 1
        compute_and_fire(c1, 1)

        @pl.when(c1 + 1 < _NCHUNK)
        def _():
            fire_qload(c1 + 1, 0)

        combine_and_store(2 * g, 0)

        @pl.when(c1 + 1 < _NCHUNK)
        def _():
            compute_and_fire(c1 + 1, 0)

        @pl.when(c1 + 2 < _NCHUNK)
        def _():
            fire_qload(c1 + 2, 1)

        combine_and_store(c1, 1)
        return ()

    lax.fori_loop(0, _NPAIR, pair_body, (), unroll=False)

    pltpu.make_async_copy(ov0, out_hbm.at[pl.ds(wbase, _C)], so0).wait()
    pltpu.make_async_copy(ov1, out_hbm.at[pl.ds(wbase, _C)], so1).wait()


@jax.jit
def _run(qy, qx, gridf, pars):
    mesh = plsc.VectorSubcoreMesh(core_axis_name="c", subcore_axis_name="s")
    f = pl.kernel(
        _sc_interp,
        mesh=mesh,
        compiler_params=pltpu.CompilerParams(needs_layout_passes=False),
        out_type=jax.ShapeDtypeStruct((Q,), jnp.float32),
        scratch_types=[
            pltpu.VMEM((4 * _L,), jnp.float32),
            pltpu.VMEM((_C,), jnp.float32),
            pltpu.VMEM((_C,), jnp.float32),
            pltpu.VMEM((_C,), jnp.float32),
            pltpu.VMEM((_C,), jnp.float32),
            pltpu.VMEM((4 * _C,), jnp.int32),
            pltpu.VMEM((4 * _C,), jnp.int32),
            pltpu.VMEM((4 * _C,), jnp.float32),
            pltpu.VMEM((4 * _C,), jnp.float32),
            pltpu.VMEM((2 * _C,), jnp.float32),
            pltpu.VMEM((2 * _C,), jnp.float32),
            pltpu.VMEM((_C,), jnp.float32),
            pltpu.VMEM((_C,), jnp.float32),
            pltpu.SemaphoreType.DMA,
            pltpu.SemaphoreType.DMA,
            pltpu.SemaphoreType.DMA,
            pltpu.SemaphoreType.DMA,
            pltpu.SemaphoreType.DMA,
            pltpu.SemaphoreType.DMA,
        ],
    )
    return f(qy, qx, gridf, pars)


def kernel(inputs, grid, bounds):
    one = (bounds[0, 1] - bounds[0, 0]) / (bounds[0, 1] - bounds[0, 0])
    qy = inputs[0, :, 0] * one
    qx = inputs[0, :, 1] * one
    gridf = _tc_detile(grid)
    oy = bounds[0, 0]
    sy = (jnp.float32(H) - 1.0) / (bounds[0, 1] - bounds[0, 0])
    ox = bounds[1, 0]
    sx = (jnp.float32(W) - 1.0) / (bounds[1, 1] - bounds[1, 0])
    pars = jnp.concatenate([
        jnp.full((_L,), oy, jnp.float32),
        jnp.full((_L,), sy, jnp.float32),
        jnp.full((_L,), ox, jnp.float32),
        jnp.full((_L,), sx, jnp.float32),
    ])
    out = _run(qy, qx, gridf, pars)
    return out[None, :, None]

# --- scband reference (transcript-rebuilt; emitter-appended) ---
"""Pipeline reference for scband-table-interpolation-47227460387485 (READ-ONLY COPY).

The authoritative reference and input builder live on the scoring server;
editing this copy changes nothing except your own understanding.
"""

import jax, jax.numpy as jnp
import numpy as np

H, W, Q = 4096, 4096, 1048576


def _interpolate_bilinear(grid, query_points):
    # Faithful port of tf.contrib.image._interpolate_bilinear with indexing='ij'.
    # grid: [B, H, W, C], query_points: [B, Q, 2]
    B, h, w, C = grid.shape
    floors = []
    alphas = []
    unstacked = [query_points[..., 0], query_points[..., 1]]
    for dim in (0, 1):
        size = grid.shape[dim + 1]
        queries = unstacked[dim]
        max_floor = float(size - 2)
        floor_f = jnp.clip(jnp.floor(queries), 0.0, max_floor)
        int_floor = floor_f.astype(jnp.int32)
        floors.append(int_floor)
        alpha = jnp.clip(queries - floor_f, 0.0, 1.0)
        alphas.append(alpha[..., None])  # [B, Q, 1]
    flat_grid = grid.reshape(B, h * w, C)

    def gather(y_idx, x_idx):
        lin = y_idx * w + x_idx  # [B, Q]
        return jnp.take_along_axis(flat_grid, lin[..., None], axis=1)  # [B, Q, C]

    top_left = gather(floors[0], floors[1])
    top_right = gather(floors[0], floors[1] + 1)
    bottom_left = gather(floors[0] + 1, floors[1])
    bottom_right = gather(floors[0] + 1, floors[1] + 1)

    interp_top = alphas[1] * (top_right - top_left) + top_left
    interp_bottom = alphas[1] * (bottom_right - bottom_left) + bottom_left
    return alphas[0] * (interp_bottom - interp_top) + interp_top


def setup_inputs(seed: int = 0):
    key = jax.random.key(seed)
    k1, k2 = jax.random.split(key)
    inputs = jax.random.uniform(k1, (1, Q, 2), dtype=jnp.float32)
    # learned 2-D table, glorot_uniform-style init
    limit = float(np.sqrt(6.0 / (H + W)))
    grid = jax.random.uniform(k2, (H, W), dtype=jnp.float32, minval=-limit, maxval=limit)
    # bounds weight [2,2]; deterministic well-conditioned values covering the query range
    bounds = jnp.array([[0.0, 1.0], [0.0, 1.0]], dtype=jnp.float32)
    return {"inputs": inputs, "grid": grid, "bounds": bounds}


def reference(inputs, grid, bounds):
    # grid -> [1, H, W, 1] as in call()
    grid4 = grid[None, :, :, None]
    q = inputs[0]  # [Q, 2]
    h = grid4.shape[1]
    w = grid4.shape[2]
    qx = (jnp.float32(h) - 1.0) * (q[:, 0] - bounds[0, 0]) / (bounds[0, 1] - bounds[0, 0])
    qv = (jnp.float32(w) - 1.0) * (q[:, 1] - bounds[1, 0]) / (bounds[1, 1] - bounds[1, 0])
    qp = jnp.stack([qx, qv], axis=1)[None]  # [1, Q, 2]
    return _interpolate_bilinear(grid4, qp)

if __name__ == "__main__":
    import jax
    _d = setup_inputs()
    print(jax.jit(kernel)(*tuple(_d.values())))

</pallas_src>

<mosaic_0001>
#map = affine_map<(d0, d1) -> (0)>
module attributes {stable_mosaic.version = 14 : i64} {
  func.func @_sc_interp(%arg0: i32, %arg1: i32, %arg2: memref<1048576xf32, #tpu.memory_space<hbm>>, %arg3: memref<1048576xf32, #tpu.memory_space<hbm>>, %arg4: memref<16777216xf32, #tpu.memory_space<hbm>>, %arg5: memref<64xf32, #tpu.memory_space<hbm>>, %arg6: memref<1048576xf32, #tpu.memory_space<hbm>>, %arg7: memref<64xf32, #tpu.memory_space<vmem>>, %arg8: memref<2048xf32, #tpu.memory_space<vmem>>, %arg9: memref<2048xf32, #tpu.memory_space<vmem>>, %arg10: memref<2048xf32, #tpu.memory_space<vmem>>, %arg11: memref<2048xf32, #tpu.memory_space<vmem>>, %arg12: memref<8192xi32, #tpu.memory_space<vmem>>, %arg13: memref<8192xi32, #tpu.memory_space<vmem>>, %arg14: memref<8192xf32, #tpu.memory_space<vmem>>, %arg15: memref<8192xf32, #tpu.memory_space<vmem>>, %arg16: memref<4096xf32, #tpu.memory_space<vmem>>, %arg17: memref<4096xf32, #tpu.memory_space<vmem>>, %arg18: memref<2048xf32, #tpu.memory_space<vmem>>, %arg19: memref<2048xf32, #tpu.memory_space<vmem>>, %arg20: memref<!tpu.dma_semaphore, #tpu.memory_space<semaphore_mem>>, %arg21: memref<!tpu.dma_semaphore, #tpu.memory_space<semaphore_mem>>, %arg22: memref<!tpu.dma_semaphore, #tpu.memory_space<semaphore_mem>>, %arg23: memref<!tpu.dma_semaphore, #tpu.memory_space<semaphore_mem>>, %arg24: memref<!tpu.dma_semaphore, #tpu.memory_space<semaphore_mem>>, %arg25: memref<!tpu.dma_semaphore, #tpu.memory_space<semaphore_mem>>) attributes {dimension_semantics = [#tpu.dimension_semantics<core_parallel>, #tpu.dimension_semantics<subcore_parallel>], iteration_bounds = array<i64: 2, 16>, scalar_prefetch = 0 : i64, scratch_operands = 19 : i64, tpu.core_type = #tpu.core_type<sc_vector_subcore>, window_params = [{transform_indices = #map}, {transform_indices = #map}, {transform_indices = #map}, {transform_indices = #map}, {transform_indices = #map}]} {
    %mul3A = arith.constant 2 : i32
    %mul3A_0 = arith.muli %arg1, %mul3A : i32
    %add3A = arith.addi %mul3A_0, %arg0 : i32
    %mul3A_1 = arith.constant 32768 : i32
    %mul3A_2 = arith.muli %add3A, %mul3A_1 : i32
    %iota3A = tpu.iota {dimensions = array<i32: 0>} : vector<16xi32>
    %mul3A_3 = arith.constant 2 : i32
    %mul3A_4 = vector.broadcast %mul3A_3 : i32 to vector<16xi32>
    %mul3A_5 = arith.muli %iota3A, %mul3A_4 : vector<16xi32>
    "tpu.region"() ({
      %run_scoped3A = tpu.sem_alloc : memref<!tpu.dma_semaphore, #tpu.memory_space<semaphore_mem>>
      tpu.enqueue_dma source(%arg5 : memref<64xf32, #tpu.memory_space<hbm>>) target(%arg7 : memref<64xf32, #tpu.memory_space<vmem>>) target_semaphore(%run_scoped3A : memref<!tpu.dma_semaphore, #tpu.memory_space<semaphore_mem>>)
      tpu.wait_dma2 semaphore(%run_scoped3A : memref<!tpu.dma_semaphore, #tpu.memory_space<semaphore_mem>>) src(%arg5 : memref<64xf32, #tpu.memory_space<hbm>>) dst(%arg7 : memref<64xf32, #tpu.memory_space<vmem>>)
      tpu.yield
    }) : () -> ()
    %get3A = arith.constant 0 : index
    %get3A_6 = tpu.vector_load %arg7[%get3A] {strides = array<i32>} : memref<64xf32, #tpu.memory_space<vmem>>, vector<16xf32>,
    %get3A_7 = arith.constant 16 : index
    %get3A_8 = tpu.vector_load %arg7[%get3A_7] {strides = array<i32>} : memref<64xf32, #tpu.memory_space<vmem>>, vector<16xf32>,
    %get3A_9 = arith.constant 32 : index
    %get3A_10 = tpu.vector_load %arg7[%get3A_9] {strides = array<i32>} : memref<64xf32, #tpu.memory_space<vmem>>, vector<16xf32>,
    %get3A_11 = arith.constant 48 : index
    %get3A_12 = tpu.vector_load %arg7[%get3A_11] {strides = array<i32>} : memref<64xf32, #tpu.memory_space<vmem>>, vector<16xf32>,
    %add3A_13 = arith.constant 0 : i32
    %add3A_14 = arith.addi %mul3A_2, %add3A_13 : i32
    %dma_start3A = tpu.memref_slice %arg2[%add3A_14] : memref<1048576xf32, #tpu.memory_space<hbm>> -> memref<2048xf32, #tpu.memory_space<hbm>>
    %dma_start3A_15 = tpu.memref_slice %arg2[%add3A_14] : memref<1048576xf32, #tpu.memory_space<hbm>> -> memref<2048xf32, #tpu.memory_space<hbm>>
    tpu.enqueue_dma source(%dma_start3A_15 : memref<2048xf32, #tpu.memory_space<hbm>>) target(%arg8 : memref<2048xf32, #tpu.memory_space<vmem>>) target_semaphore(%arg20 : memref<!tpu.dma_semaphore, #tpu.memory_space<semaphore_mem>>)
    %add3A_16 = arith.constant 0 : i32
    %add3A_17 = arith.addi %mul3A_2, %add3A_16 : i32
    %dma_start3A_18 = tpu.memref_slice %arg3[%add3A_17] : memref<1048576xf32, #tpu.memory_space<hbm>> -> memref<2048xf32, #tpu.memory_space<hbm>>
    %dma_start3A_19 = tpu.memref_slice %arg3[%add3A_17] : memref<1048576xf32, #tpu.memory_space<hbm>> -> memref<2048xf32, #tpu.memory_space<hbm>>
    tpu.enqueue_dma source(%dma_start3A_19 : memref<2048xf32, #tpu.memory_space<hbm>>) target(%arg10 : memref<2048xf32, #tpu.memory_space<vmem>>) target_semaphore(%arg20 : memref<!tpu.dma_semaphore, #tpu.memory_space<semaphore_mem>>)
    %add3A_20 = arith.constant 0 : i32
    %add3A_21 = arith.addi %mul3A_2, %add3A_20 : i32
    %dma_wait3A = tpu.memref_slice %arg2[%add3A_21] : memref<1048576xf32, #tpu.memory_space<hbm>> -> memref<2048xf32, #tpu.memory_space<hbm>>
    %dma_wait3A_22 = tpu.memref_slice %arg2[%add3A_21] : memref<1048576xf32, #tpu.memory_space<hbm>> -> memref<2048xf32, #tpu.memory_space<hbm>>
    tpu.wait_dma2 semaphore(%arg20 : memref<!tpu.dma_semaphore, #tpu.memory_space<semaphore_mem>>) src(%dma_wait3A_22 : memref<2048xf32, #tpu.memory_space<hbm>>) dst(%arg8 : memref<2048xf32, #tpu.memory_space<vmem>>)
    %add3A_23 = arith.constant 0 : i32
    %add3A_24 = arith.addi %mul3A_2, %add3A_23 : i32
    %dma_wait3A_25 = tpu.memref_slice %arg3[%add3A_24] : memref<1048576xf32, #tpu.memory_space<hbm>> -> memref<2048xf32, #tpu.memory_space<hbm>>
    %dma_wait3A_26 = tpu.memref_slice %arg3[%add3A_24] : memref<1048576xf32, #tpu.memory_space<hbm>> -> memref<2048xf32, #tpu.memory_space<hbm>>
    tpu.wait_dma2 semaphore(%arg20 : memref<!tpu.dma_semaphore, #tpu.memory_space<semaphore_mem>>) src(%dma_wait3A_26 : memref<2048xf32, #tpu.memory_space<hbm>>) dst(%arg10 : memref<2048xf32, #tpu.memory_space<vmem>>)
    %parallel_loop3A = arith.constant 0 : i32
    %parallel_loop3A_27 = arith.constant 128 : i32
    %parallel_loop3A_28 = arith.constant 1 : i32
    scf.for %parallel_loop3A_69 = %parallel_loop3A to %parallel_loop3A_27 step %parallel_loop3A_28  : i32 {
      %parallel_loop3A_70 = arith.constant 16 : i32
      %parallel_loop3A_71 = arith.muli %parallel_loop3A_69, %parallel_loop3A_70 : i32
      %parallel_loop3A_72 = arith.index_cast %parallel_loop3A_71 : i32 to index
      %parallel_loop3A_73 = tpu.vector_load %arg8[%parallel_loop3A_72] {strides = array<i32>} : memref<2048xf32, #tpu.memory_space<vmem>>, vector<16xf32>,
      %parallel_loop3A_74 = arith.index_cast %parallel_loop3A_71 : i32 to index
      %parallel_loop3A_75 = tpu.vector_load %arg10[%parallel_loop3A_74] {strides = array<i32>} : memref<2048xf32, #tpu.memory_space<vmem>>, vector<16xf32>,
      %parallel_loop3A_76 = arith.subf %parallel_loop3A_73, %get3A_6 : vector<16xf32>
      %parallel_loop3A_77 = arith.mulf %parallel_loop3A_76, %get3A_8 : vector<16xf32>
      %parallel_loop3A_78 = arith.subf %parallel_loop3A_75, %get3A_10 : vector<16xf32>
      %parallel_loop3A_79 = arith.mulf %parallel_loop3A_78, %get3A_12 : vector<16xf32>
      %parallel_loop3A_80 = arith.fptosi %parallel_loop3A_77 : vector<16xf32> to vector<16xi32>
      %parallel_loop3A_81 = arith.constant 0 : i32
      %parallel_loop3A_82 = vector.broadcast %parallel_loop3A_81 : i32 to vector<16xi32>
      %parallel_loop3A_83 = arith.maxsi %parallel_loop3A_80, %parallel_loop3A_82 : vector<16xi32>
      %parallel_loop3A_84 = arith.constant 4094 : i32
      %parallel_loop3A_85 = vector.broadcast %parallel_loop3A_84 : i32 to vector<16xi32>
      %parallel_loop3A_86 = arith.minsi %parallel_loop3A_83, %parallel_loop3A_85 : vector<16xi32>
      %parallel_loop3A_87 = arith.fptosi %parallel_loop3A_79 : vector<16xf32> to vector<16xi32>
      %parallel_loop3A_88 = arith.constant 0 : i32
      %parallel_loop3A_89 = vector.broadcast %parallel_loop3A_88 : i32 to vector<16xi32>
      %parallel_loop3A_90 = arith.maxsi %parallel_loop3A_87, %parallel_loop3A_89 : vector<16xi32>
      %parallel_loop3A_91 = arith.constant 4094 : i32
      %parallel_loop3A_92 = vector.broadcast %parallel_loop3A_91 : i32 to vector<16xi32>
      %parallel_loop3A_93 = arith.minsi %parallel_loop3A_90, %parallel_loop3A_92 : vector<16xi32>
      %parallel_loop3A_94 = arith.sitofp %parallel_loop3A_86 : vector<16xi32> to vector<16xf32>
      %parallel_loop3A_95 = arith.subf %parallel_loop3A_77, %parallel_loop3A_94 : vector<16xf32>
      %parallel_loop3A_96 = arith.constant 0.000000e+00 : f32
      %parallel_loop3A_97 = vector.broadcast %parallel_loop3A_96 : f32 to vector<16xf32>
      %parallel_loop3A_98 = arith.maximumf %parallel_loop3A_95, %parallel_loop3A_97 : vector<16xf32>
      %parallel_loop3A_99 = arith.constant 1.000000e+00 : f32
      %parallel_loop3A_100 = vector.broadcast %parallel_loop3A_99 : f32 to vector<16xf32>
      %parallel_loop3A_101 = arith.minimumf %parallel_loop3A_98, %parallel_loop3A_100 : vector<16xf32>
      %parallel_loop3A_102 = arith.sitofp %parallel_loop3A_93 : vector<16xi32> to vector<16xf32>
      %parallel_loop3A_103 = arith.subf %parallel_loop3A_79, %parallel_loop3A_102 : vector<16xf32>
      %parallel_loop3A_104 = arith.constant 0.000000e+00 : f32
      %parallel_loop3A_105 = vector.broadcast %parallel_loop3A_104 : f32 to vector<16xf32>
      %parallel_loop3A_106 = arith.maximumf %parallel_loop3A_103, %parallel_loop3A_105 : vector<16xf32>
      %parallel_loop3A_107 = arith.constant 1.000000e+00 : f32
      %parallel_loop3A_108 = vector.broadcast %parallel_loop3A_107 : f32 to vector<16xf32>
      %parallel_loop3A_109 = arith.minimumf %parallel_loop3A_106, %parallel_loop3A_108 : vector<16xf32>
      %parallel_loop3A_110 = arith.constant 12 : i32
      %parallel_loop3A_111 = vector.broadcast %parallel_loop3A_110 : i32 to vector<16xi32>
      %parallel_loop3A_112 = arith.shli %parallel_loop3A_86, %parallel_loop3A_111 : vector<16xi32>
      %parallel_loop3A_113 = arith.addi %parallel_loop3A_112, %parallel_loop3A_93 : vector<16xi32>
      %parallel_loop3A_114 = arith.constant 16 : i32
      %parallel_loop3A_115 = arith.muli %parallel_loop3A_69, %parallel_loop3A_114 : i32
      %parallel_loop3A_116 = arith.constant 32 : i32
      %parallel_loop3A_117 = arith.muli %parallel_loop3A_69, %parallel_loop3A_116 : i32
      %parallel_loop3A_118 = vector.broadcast %parallel_loop3A_117 : i32 to vector<16xi32>
      %parallel_loop3A_119 = arith.addi %parallel_loop3A_118, %mul3A_5 : vector<16xi32>
      tpu.vector_store_idx %arg12[%parallel_loop3A_119], %parallel_loop3A_113 : memref<8192xi32, #tpu.memory_space<vmem>>[vector<16xi32>], vector<16xi32>,
      %parallel_loop3A_120 = arith.constant 1 : i32
      %parallel_loop3A_121 = vector.broadcast %parallel_loop3A_120 : i32 to vector<16xi32>
      %parallel_loop3A_122 = arith.addi %parallel_loop3A_119, %parallel_loop3A_121 : vector<16xi32>
      %parallel_loop3A_123 = arith.constant 1 : i32
      %parallel_loop3A_124 = vector.broadcast %parallel_loop3A_123 : i32 to vector<16xi32>
      %parallel_loop3A_125 = arith.addi %parallel_loop3A_113, %parallel_loop3A_124 : vector<16xi32>
      tpu.vector_store_idx %arg12[%parallel_loop3A_122], %parallel_loop3A_125 : memref<8192xi32, #tpu.memory_space<vmem>>[vector<16xi32>], vector<16xi32>,
      %parallel_loop3A_126 = arith.constant 4096 : i32
      %parallel_loop3A_127 = vector.broadcast %parallel_loop3A_126 : i32 to vector<16xi32>
      %parallel_loop3A_128 = arith.addi %parallel_loop3A_127, %parallel_loop3A_119 : vector<16xi32>
      %parallel_loop3A_129 = arith.constant 4096 : i32
      %parallel_loop3A_130 = vector.broadcast %parallel_loop3A_129 : i32 to vector<16xi32>
      %parallel_loop3A_131 = arith.addi %parallel_loop3A_113, %parallel_loop3A_130 : vector<16xi32>
      tpu.vector_store_idx %arg12[%parallel_loop3A_128], %parallel_loop3A_131 : memref<8192xi32, #tpu.memory_space<vmem>>[vector<16xi32>], vector<16xi32>,
      %parallel_loop3A_132 = arith.constant 4096 : i32
      %parallel_loop3A_133 = vector.broadcast %parallel_loop3A_132 : i32 to vector<16xi32>
      %parallel_loop3A_134 = arith.addi %parallel_loop3A_133, %parallel_loop3A_119 : vector<16xi32>
      %parallel_loop3A_135 = arith.constant 1 : i32
      %parallel_loop3A_136 = vector.broadcast %parallel_loop3A_135 : i32 to vector<16xi32>
      %parallel_loop3A_137 = arith.addi %parallel_loop3A_134, %parallel_loop3A_136 : vector<16xi32>
      %parallel_loop3A_138 = arith.constant 4097 : i32
      %parallel_loop3A_139 = vector.broadcast %parallel_loop3A_138 : i32 to vector<16xi32>
      %parallel_loop3A_140 = arith.addi %parallel_loop3A_113, %parallel_loop3A_139 : vector<16xi32>
      tpu.vector_store_idx %arg12[%parallel_loop3A_137], %parallel_loop3A_140 : memref<8192xi32, #tpu.memory_space<vmem>>[vector<16xi32>], vector<16xi32>,
      %parallel_loop3A_141 = arith.index_cast %parallel_loop3A_115 : i32 to index
      %parallel_loop3A_142 = tpu.vector_load %arg16[%parallel_loop3A_141] {strides = array<i32>} : memref<4096xf32, #tpu.memory_space<vmem>>, vector<16xf32>,
      tpu.vector_store %arg16[%parallel_loop3A_141], %parallel_loop3A_109 {strides = array<i32>} : memref<4096xf32, #tpu.memory_space<vmem>>, vector<16xf32>,
      %parallel_loop3A_143 = arith.constant 2048 : i32
      %parallel_loop3A_144 = arith.addi %parallel_loop3A_143, %parallel_loop3A_115 : i32
      %parallel_loop3A_145 = arith.index_cast %parallel_loop3A_144 : i32 to index
      %parallel_loop3A_146 = tpu.vector_load %arg16[%parallel_loop3A_145] {strides = array<i32>} : memref<4096xf32, #tpu.memory_space<vmem>>, vector<16xf32>,
      tpu.vector_store %arg16[%parallel_loop3A_145], %parallel_loop3A_101 {strides = array<i32>} : memref<4096xf32, #tpu.memory_space<vmem>>, vector<16xf32>,
    } {sc.loop_unroll_factor = 4 : i64, sc.parallel_access}
    %dma_start3A_29 = arith.constant 0 : i32
    %dma_start3A_30 = tpu.memref_slice %arg14[%dma_start3A_29] : memref<8192xf32, #tpu.memory_space<vmem>> -> memref<2048xf32, #tpu.memory_space<vmem>>
    %dma_start3A_31 = arith.constant 0 : i32
    %dma_start3A_32 = tpu.memref_slice %arg12[%dma_start3A_31] : memref<8192xi32, #tpu.memory_space<vmem>> -> memref<2048xi32, #tpu.memory_space<vmem>>
    %dma_start3A_33 = arith.constant 0 : i32
    %dma_start3A_34 = tpu.memref_slice %arg4[%dma_start3A_33] : memref<16777216xf32, #tpu.memory_space<hbm>> -> memref<16777216xf32, #tpu.memory_space<hbm>>
    tpu.enqueue_indirect_dma source(%dma_start3A_34 : memref<16777216xf32, #tpu.memory_space<hbm>>) target(%dma_start3A_30 : memref<2048xf32, #tpu.memory_space<vmem>>) offsets(%dma_start3A_32 : memref<2048xi32, #tpu.memory_space<vmem>>) semaphore(%arg22 : memref<!tpu.dma_semaphore, #tpu.memory_space<semaphore_mem>>)
    %dma_start3A_35 = arith.constant 2048 : i32
    %dma_start3A_36 = tpu.memref_slice %arg14[%dma_start3A_35] : memref<8192xf32, #tpu.memory_space<vmem>> -> memref<2048xf32, #tpu.memory_space<vmem>>
    %dma_start3A_37 = arith.constant 2048 : i32
    %dma_start3A_38 = tpu.memref_slice %arg12[%dma_start3A_37] : memref<8192xi32, #tpu.memory_space<vmem>> -> memref<2048xi32, #tpu.memory_space<vmem>>
    %dma_start3A_39 = arith.constant 0 : i32
    %dma_start3A_40 = tpu.memref_slice %arg4[%dma_start3A_39] : memref<16777216xf32, #tpu.memory_space<hbm>> -> memref<16777216xf32, #tpu.memory_space<hbm>>
    tpu.enqueue_indirect_dma source(%dma_start3A_40 : memref<16777216xf32, #tpu.memory_space<hbm>>) target(%dma_start3A_36 : memref<2048xf32, #tpu.memory_space<vmem>>) offsets(%dma_start3A_38 : memref<2048xi32, #tpu.memory_space<vmem>>) semaphore(%arg22 : memref<!tpu.dma_semaphore, #tpu.memory_space<semaphore_mem>>)
    %dma_start3A_41 = arith.constant 4096 : i32
    %dma_start3A_42 = tpu.memref_slice %arg14[%dma_start3A_41] : memref<8192xf32, #tpu.memory_space<vmem>> -> memref<2048xf32, #tpu.memory_space<vmem>>
    %dma_start3A_43 = arith.constant 4096 : i32
    %dma_start3A_44 = tpu.memref_slice %arg12[%dma_start3A_43] : memref<8192xi32, #tpu.memory_space<vmem>> -> memref<2048xi32, #tpu.memory_space<vmem>>
    %dma_start3A_45 = arith.constant 0 : i32
    %dma_start3A_46 = tpu.memref_slice %arg4[%dma_start3A_45] : memref<16777216xf32, #tpu.memory_space<hbm>> -> memref<16777216xf32, #tpu.memory_space<hbm>>
    tpu.enqueue_indirect_dma source(%dma_start3A_46 : memref<16777216xf32, #tpu.memory_space<hbm>>) target(%dma_start3A_42 : memref<2048xf32, #tpu.memory_space<vmem>>) offsets(%dma_start3A_44 : memref<2048xi32, #tpu.memory_space<vmem>>) semaphore(%arg22 : memref<!tpu.dma_semaphore, #tpu.memory_space<semaphore_mem>>)
    %dma_start3A_47 = arith.constant 6144 : i32
    %dma_start3A_48 = tpu.memref_slice %arg14[%dma_start3A_47] : memref<8192xf32, #tpu.memory_space<vmem>> -> memref<2048xf32, #tpu.memory_space<vmem>>
    %dma_start3A_49 = arith.constant 6144 : i32
    %dma_start3A_50 = tpu.memref_slice %arg12[%dma_start3A_49] : memref<8192xi32, #tpu.memory_space<vmem>> -> memref<2048xi32, #tpu.memory_space<vmem>>
    %dma_start3A_51 = arith.constant 0 : i32
    %dma_start3A_52 = tpu.memref_slice %arg4[%dma_start3A_51] : memref<16777216xf32, #tpu.memory_space<hbm>> -> memref<16777216xf32, #tpu.memory_space<hbm>>
    tpu.enqueue_indirect_dma source(%dma_start3A_52 : memref<16777216xf32, #tpu.memory_space<hbm>>) target(%dma_start3A_48 : memref<2048xf32, #tpu.memory_space<vmem>>) offsets(%dma_start3A_50 : memref<2048xi32, #tpu.memory_space<vmem>>) semaphore(%arg22 : memref<!tpu.dma_semaphore, #tpu.memory_space<semaphore_mem>>)
    %add3A_53 = arith.constant 2048 : i32
    %add3A_54 = arith.addi %mul3A_2, %add3A_53 : i32
    %dma_start3A_55 = tpu.memref_slice %arg2[%add3A_54] : memref<1048576xf32, #tpu.memory_space<hbm>> -> memref<2048xf32, #tpu.memory_space<hbm>>
    %dma_start3A_56 = tpu.memref_slice %arg2[%add3A_54] : memref<1048576xf32, #tpu.memory_space<hbm>> -> memref<2048xf32, #tpu.memory_space<hbm>>
    tpu.enqueue_dma source(%dma_start3A_56 : memref<2048xf32, #tpu.memory_space<hbm>>) target(%arg9 : memref<2048xf32, #tpu.memory_space<vmem>>) target_semaphore(%arg21 : memref<!tpu.dma_semaphore, #tpu.memory_space<semaphore_mem>>)
    %add3A_57 = arith.constant 2048 : i32
    %add3A_58 = arith.addi %mul3A_2, %add3A_57 : i32
    %dma_start3A_59 = tpu.memref_slice %arg3[%add3A_58] : memref<1048576xf32, #tpu.memory_space<hbm>> -> memref<2048xf32, #tpu.memory_space<hbm>>
    %dma_start3A_60 = tpu.memref_slice %arg3[%add3A_58] : memref<1048576xf32, #tpu.memory_space<hbm>> -> memref<2048xf32, #tpu.memory_space<hbm>>
    tpu.enqueue_dma source(%dma_start3A_60 : memref<2048xf32, #tpu.memory_space<hbm>>) target(%arg11 : memref<2048xf32, #tpu.memory_space<vmem>>) target_semaphore(%arg21 : memref<!tpu.dma_semaphore, #tpu.memory_space<semaphore_mem>>)
    %scan3A = arith.constant 0 : i32
    %scan3A_61 = arith.constant 8 : i32
    %scan3A_62 = arith.addi %scan3A, %scan3A_61 : i32
    %scan3A_63 = arith.constant 1 : i32
    scf.for %scan3A_69 = %scan3A to %scan3A_62 step %scan3A_63  : i32 {
      %mul3A_70 = arith.constant 2 : i32
      %mul3A_71 = arith.muli %mul3A_70, %scan3A_69 : i32
      %add3A_72 = arith.constant 1 : i32
      %add3A_73 = arith.addi %mul3A_71, %add3A_72 : i32
      %mul3A_74 = arith.constant 2048 : i32
      %mul3A_75 = arith.muli %add3A_73, %mul3A_74 : i32
      %add3A_76 = arith.addi %mul3A_2, %mul3A_75 : i32
      %dma_wait3A_77 = tpu.memref_slice %arg2[%add3A_76] : memref<1048576xf32, #tpu.memory_space<hbm>> -> memref<2048xf32, #tpu.memory_space<hbm>>
      %dma_wait3A_78 = tpu.memref_slice %arg2[%add3A_76] : memref<1048576xf32, #tpu.memory_space<hbm>> -> memref<2048xf32, #tpu.memory_space<hbm>>
      tpu.wait_dma2 semaphore(%arg21 : memref<!tpu.dma_semaphore, #tpu.memory_space<semaphore_mem>>) src(%dma_wait3A_78 : memref<2048xf32, #tpu.memory_space<hbm>>) dst(%arg9 : memref<2048xf32, #tpu.memory_space<vmem>>)
      %mul3A_79 = arith.constant 2048 : i32
      %mul3A_80 = arith.muli %add3A_73, %mul3A_79 : i32
      %add3A_81 = arith.addi %mul3A_2, %mul3A_80 : i32
      %dma_wait3A_82 = tpu.memref_slice %arg3[%add3A_81] : memref<1048576xf32, #tpu.memory_space<hbm>> -> memref<2048xf32, #tpu.memory_space<hbm>>
      %dma_wait3A_83 = tpu.memref_slice %arg3[%add3A_81] : memref<1048576xf32, #tpu.memory_space<hbm>> -> memref<2048xf32, #tpu.memory_space<hbm>>
      tpu.wait_dma2 semaphore(%arg21 : memref<!tpu.dma_semaphore, #tpu.memory_space<semaphore_mem>>) src(%dma_wait3A_83 : memref<2048xf32, #tpu.memory_space<hbm>>) dst(%arg11 : memref<2048xf32, #tpu.memory_space<vmem>>)
      %parallel_loop3A_84 = arith.constant 0 : i32
      %parallel_loop3A_85 = arith.constant 128 : i32
      %parallel_loop3A_86 = arith.constant 1 : i32
      scf.for %parallel_loop3A_204 = %parallel_loop3A_84 to %parallel_loop3A_85 step %parallel_loop3A_86  : i32 {
        %parallel_loop3A_205 = arith.constant 16 : i32
        %parallel_loop3A_206 = arith.muli %parallel_loop3A_204, %parallel_loop3A_205 : i32
        %parallel_loop3A_207 = arith.index_cast %parallel_loop3A_206 : i32 to index
        %parallel_loop3A_208 = tpu.vector_load %arg9[%parallel_loop3A_207] {strides = array<i32>} : memref<2048xf32, #tpu.memory_space<vmem>>, vector<16xf32>,
        %parallel_loop3A_209 = arith.index_cast %parallel_loop3A_206 : i32 to index
        %parallel_loop3A_210 = tpu.vector_load %arg11[%parallel_loop3A_209] {strides = array<i32>} : memref<2048xf32, #tpu.memory_space<vmem>>, vector<16xf32>,
        %parallel_loop3A_211 = arith.subf %parallel_loop3A_208, %get3A_6 : vector<16xf32>
        %parallel_loop3A_212 = arith.mulf %parallel_loop3A_211, %get3A_8 : vector<16xf32>
        %parallel_loop3A_213 = arith.subf %parallel_loop3A_210, %get3A_10 : vector<16xf32>
        %parallel_loop3A_214 = arith.mulf %parallel_loop3A_213, %get3A_12 : vector<16xf32>
        %parallel_loop3A_215 = arith.fptosi %parallel_loop3A_212 : vector<16xf32> to vector<16xi32>
        %parallel_loop3A_216 = arith.constant 0 : i32
        %parallel_loop3A_217 = vector.broadcast %parallel_loop3A_216 : i32 to vector<16xi32>
        %parallel_loop3A_218 = arith.maxsi %parallel_loop3A_215, %parallel_loop3A_217 : vector<16xi32>
        %parallel_loop3A_219 = arith.constant 4094 : i32
        %parallel_loop3A_220 = vector.broadcast %parallel_loop3A_219 : i32 to vector<16xi32>
        %parallel_loop3A_221 = arith.minsi %parallel_loop3A_218, %parallel_loop3A_220 : vector<16xi32>
        %parallel_loop3A_222 = arith.fptosi %parallel_loop3A_214 : vector<16xf32> to vector<16xi32>
        %parallel_loop3A_223 = arith.constant 0 : i32
        %parallel_loop3A_224 = vector.broadcast %parallel_loop3A_223 : i32 to vector<16xi32>
        %parallel_loop3A_225 = arith.maxsi %parallel_loop3A_222, %parallel_loop3A_224 : vector<16xi32>
        %parallel_loop3A_226 = arith.constant 4094 : i32
        %parallel_loop3A_227 = vector.broadcast %parallel_loop3A_226 : i32 to vector<16xi32>
        %parallel_loop3A_228 = arith.minsi %parallel_loop3A_225, %parallel_loop3A_227 : vector<16xi32>
        %parallel_loop3A_229 = arith.sitofp %parallel_loop3A_221 : vector<16xi32> to vector<16xf32>
        %parallel_loop3A_230 = arith.subf %parallel_loop3A_212, %parallel_loop3A_229 : vector<16xf32>
        %parallel_loop3A_231 = arith.constant 0.000000e+00 : f32
        %parallel_loop3A_232 = vector.broadcast %parallel_loop3A_231 : f32 to vector<16xf32>
        %parallel_loop3A_233 = arith.maximumf %parallel_loop3A_230, %parallel_loop3A_232 : vector<16xf32>
        %parallel_loop3A_234 = arith.constant 1.000000e+00 : f32
        %parallel_loop3A_235 = vector.broadcast %parallel_loop3A_234 : f32 to vector<16xf32>
        %parallel_loop3A_236 = arith.minimumf %parallel_loop3A_233, %parallel_loop3A_235 : vector<16xf32>
        %parallel_loop3A_237 = arith.sitofp %parallel_loop3A_228 : vector<16xi32> to vector<16xf32>
        %parallel_loop3A_238 = arith.subf %parallel_loop3A_214, %parallel_loop3A_237 : vector<16xf32>
        %parallel_loop3A_239 = arith.constant 0.000000e+00 : f32
        %parallel_loop3A_240 = vector.broadcast %parallel_loop3A_239 : f32 to vector<16xf32>
        %parallel_loop3A_241 = arith.maximumf %parallel_loop3A_238, %parallel_loop3A_240 : vector<16xf32>
        %parallel_loop3A_242 = arith.constant 1.000000e+00 : f32
        %parallel_loop3A_243 = vector.broadcast %parallel_loop3A_242 : f32 to vector<16xf32>
        %parallel_loop3A_244 = arith.minimumf %parallel_loop3A_241, %parallel_loop3A_243 : vector<16xf32>
        %parallel_loop3A_245 = arith.constant 12 : i32
        %parallel_loop3A_246 = vector.broadcast %parallel_loop3A_245 : i32 to vector<16xi32>
        %parallel_loop3A_247 = arith.shli %parallel_loop3A_221, %parallel_loop3A_246 : vector<16xi32>
        %parallel_loop3A_248 = arith.addi %parallel_loop3A_247, %parallel_loop3A_228 : vector<16xi32>
        %parallel_loop3A_249 = arith.constant 16 : i32
        %parallel_loop3A_250 = arith.muli %parallel_loop3A_204, %parallel_loop3A_249 : i32
        %parallel_loop3A_251 = arith.constant 32 : i32
        %parallel_loop3A_252 = arith.muli %parallel_loop3A_204, %parallel_loop3A_251 : i32
        %parallel_loop3A_253 = vector.broadcast %parallel_loop3A_252 : i32 to vector<16xi32>
        %parallel_loop3A_254 = arith.addi %parallel_loop3A_253, %mul3A_5 : vector<16xi32>
        tpu.vector_store_idx %arg13[%parallel_loop3A_254], %parallel_loop3A_248 : memref<8192xi32, #tpu.memory_space<vmem>>[vector<16xi32>], vector<16xi32>,
        %parallel_loop3A_255 = arith.constant 1 : i32
        %parallel_loop3A_256 = vector.broadcast %parallel_loop3A_255 : i32 to vector<16xi32>
        %parallel_loop3A_257 = arith.addi %parallel_loop3A_254, %parallel_loop3A_256 : vector<16xi32>
        %parallel_loop3A_258 = arith.constant 1 : i32
        %parallel_loop3A_259 = vector.broadcast %parallel_loop3A_258 : i32 to vector<16xi32>
        %parallel_loop3A_260 = arith.addi %parallel_loop3A_248, %parallel_loop3A_259 : vector<16xi32>
        tpu.vector_store_idx %arg13[%parallel_loop3A_257], %parallel_loop3A_260 : memref<8192xi32, #tpu.memory_space<vmem>>[vector<16xi32>], vector<16xi32>,
        %parallel_loop3A_261 = arith.constant 4096 : i32
        %parallel_loop3A_262 = vector.broadcast %parallel_loop3A_261 : i32 to vector<16xi32>
        %parallel_loop3A_263 = arith.addi %parallel_loop3A_262, %parallel_loop3A_254 : vector<16xi32>
        %parallel_loop3A_264 = arith.constant 4096 : i32
        %parallel_loop3A_265 = vector.broadcast %parallel_loop3A_264 : i32 to vector<16xi32>
        %parallel_loop3A_266 = arith.addi %parallel_loop3A_248, %parallel_loop3A_265 : vector<16xi32>
        tpu.vector_store_idx %arg13[%parallel_loop3A_263], %parallel_loop3A_266 : memref<8192xi32, #tpu.memory_space<vmem>>[vector<16xi32>], vector<16xi32>,
        %parallel_loop3A_267 = arith.constant 4096 : i32
        %parallel_loop3A_268 = vector.broadcast %parallel_loop3A_267 : i32 to vector<16xi32>
        %parallel_loop3A_269 = arith.addi %parallel_loop3A_268, %parallel_loop3A_254 : vector<16xi32>
        %parallel_loop3A_270 = arith.constant 1 : i32
        %parallel_loop3A_271 = vector.broadcast %parallel_loop3A_270 : i32 to vector<16xi32>
        %parallel_loop3A_272 = arith.addi %parallel_loop3A_269, %parallel_loop3A_271 : vector<16xi32>
        %parallel_loop3A_273 = arith.constant 4097 : i32
        %parallel_loop3A_274 = vector.broadcast %parallel_loop3A_273 : i32 to vector<16xi32>
        %parallel_loop3A_275 = arith.addi %parallel_loop3A_248, %parallel_loop3A_274 : vector<16xi32>
        tpu.vector_store_idx %arg13[%parallel_loop3A_272], %parallel_loop3A_275 : memref<8192xi32, #tpu.memory_space<vmem>>[vector<16xi32>], vector<16xi32>,
        %parallel_loop3A_276 = arith.index_cast %parallel_loop3A_250 : i32 to index
        %parallel_loop3A_277 = tpu.vector_load %arg17[%parallel_loop3A_276] {strides = array<i32>} : memref<4096xf32, #tpu.memory_space<vmem>>, vector<16xf32>,
        tpu.vector_store %arg17[%parallel_loop3A_276], %parallel_loop3A_244 {strides = array<i32>} : memref<4096xf32, #tpu.memory_space<vmem>>, vector<16xf32>,
        %parallel_loop3A_278 = arith.constant 2048 : i32
        %parallel_loop3A_279 = arith.addi %parallel_loop3A_278, %parallel_loop3A_250 : i32
        %parallel_loop3A_280 = arith.index_cast %parallel_loop3A_279 : i32 to index
        %parallel_loop3A_281 = tpu.vector_load %arg17[%parallel_loop3A_280] {strides = array<i32>} : memref<4096xf32, #tpu.memory_space<vmem>>, vector<16xf32>,
        tpu.vector_store %arg17[%parallel_loop3A_280], %parallel_loop3A_236 {strides = array<i32>} : memref<4096xf32, #tpu.memory_space<vmem>>, vector<16xf32>,
      } {sc.loop_unroll_factor = 4 : i64, sc.parallel_access}
      %dma_start3A_87 = arith.constant 0 : i32
      %dma_start3A_88 = tpu.memref_slice %arg15[%dma_start3A_87] : memref<8192xf32, #tpu.memory_space<vmem>> -> memref<2048xf32, #tpu.memory_space<vmem>>
      %dma_start3A_89 = arith.constant 0 : i32
      %dma_start3A_90 = tpu.memref_slice %arg13[%dma_start3A_89] : memref<8192xi32, #tpu.memory_space<vmem>> -> memref<2048xi32, #tpu.memory_space<vmem>>
      %dma_start3A_91 = arith.constant 0 : i32
      %dma_start3A_92 = tpu.memref_slice %arg4[%dma_start3A_91] : memref<16777216xf32, #tpu.memory_space<hbm>> -> memref<16777216xf32, #tpu.memory_space<hbm>>
      tpu.enqueue_indirect_dma source(%dma_start3A_92 : memref<16777216xf32, #tpu.memory_space<hbm>>) target(%dma_start3A_88 : memref<2048xf32, #tpu.memory_space<vmem>>) offsets(%dma_start3A_90 : memref<2048xi32, #tpu.memory_space<vmem>>) semaphore(%arg23 : memref<!tpu.dma_semaphore, #tpu.memory_space<semaphore_mem>>)
      %dma_start3A_93 = arith.constant 2048 : i32
      %dma_start3A_94 = tpu.memref_slice %arg15[%dma_start3A_93] : memref<8192xf32, #tpu.memory_space<vmem>> -> memref<2048xf32, #tpu.memory_space<vmem>>
      %dma_start3A_95 = arith.constant 2048 : i32
      %dma_start3A_96 = tpu.memref_slice %arg13[%dma_start3A_95] : memref<8192xi32, #tpu.memory_space<vmem>> -> memref<2048xi32, #tpu.memory_space<vmem>>
      %dma_start3A_97 = arith.constant 0 : i32
      %dma_start3A_98 = tpu.memref_slice %arg4[%dma_start3A_97] : memref<16777216xf32, #tpu.memory_space<hbm>> -> memref<16777216xf32, #tpu.memory_space<hbm>>
      tpu.enqueue_indirect_dma source(%dma_start3A_98 : memref<16777216xf32, #tpu.memory_space<hbm>>) target(%dma_start3A_94 : memref<2048xf32, #tpu.memory_space<vmem>>) offsets(%dma_start3A_96 : memref<2048xi32, #tpu.memory_space<vmem>>) semaphore(%arg23 : memref<!tpu.dma_semaphore, #tpu.memory_space<semaphore_mem>>)
      %dma_start3A_99 = arith.constant 4096 : i32
      %dma_start3A_100 = tpu.memref_slice %arg15[%dma_start3A_99] : memref<8192xf32, #tpu.memory_space<vmem>> -> memref<2048xf32, #tpu.memory_space<vmem>>
      %dma_start3A_101 = arith.constant 4096 : i32
      %dma_start3A_102 = tpu.memref_slice %arg13[%dma_start3A_101] : memref<8192xi32, #tpu.memory_space<vmem>> -> memref<2048xi32, #tpu.memory_space<vmem>>
      %dma_start3A_103 = arith.constant 0 : i32
      %dma_start3A_104 = tpu.memref_slice %arg4[%dma_start3A_103] : memref<16777216xf32, #tpu.memory_space<hbm>> -> memref<16777216xf32, #tpu.memory_space<hbm>>
      tpu.enqueue_indirect_dma source(%dma_start3A_104 : memref<16777216xf32, #tpu.memory_space<hbm>>) target(%dma_start3A_100 : memref<2048xf32, #tpu.memory_space<vmem>>) offsets(%dma_start3A_102 : memref<2048xi32, #tpu.memory_space<vmem>>) semaphore(%arg23 : memref<!tpu.dma_semaphore, #tpu.memory_space<semaphore_mem>>)
      %dma_start3A_105 = arith.constant 6144 : i32
      %dma_start3A_106 = tpu.memref_slice %arg15[%dma_start3A_105] : memref<8192xf32, #tpu.memory_space<vmem>> -> memref<2048xf32, #tpu.memory_space<vmem>>
      %dma_start3A_107 = arith.constant 6144 : i32
      %dma_start3A_108 = tpu.memref_slice %arg13[%dma_start3A_107] : memref<8192xi32, #tpu.memory_space<vmem>> -> memref<2048xi32, #tpu.memory_space<vmem>>
      %dma_start3A_109 = arith.constant 0 : i32
      %dma_start3A_110 = tpu.memref_slice %arg4[%dma_start3A_109] : memref<16777216xf32, #tpu.memory_space<hbm>> -> memref<16777216xf32, #tpu.memory_space<hbm>>
      tpu.enqueue_indirect_dma source(%dma_start3A_110 : memref<16777216xf32, #tpu.memory_space<hbm>>) target(%dma_start3A_106 : memref<2048xf32, #tpu.memory_space<vmem>>) offsets(%dma_start3A_108 : memref<2048xi32, #tpu.memory_space<vmem>>) semaphore(%arg23 : memref<!tpu.dma_semaphore, #tpu.memory_space<semaphore_mem>>)
      %add3A_111 = arith.constant 1 : i32
      %add3A_112 = arith.addi %add3A_73, %add3A_111 : i32
      %lt3A = arith.constant 16 : i32
      %lt3A_113 = arith.cmpi slt, %add3A_112, %lt3A : i32
      %convert_element_type3A = arith.extui %lt3A_113 : i1 to i32
      %cond3A = arith.constant 0 : i32
      %cond3A_114 = arith.cmpi ne, %convert_element_type3A, %cond3A : i32
      scf.if %cond3A_114 {
        %add3A_204 = arith.constant 1 : i32
        %add3A_205 = arith.addi %add3A_73, %add3A_204 : i32
        %mul3A_206 = arith.constant 2048 : i32
        %mul3A_207 = arith.muli %add3A_205, %mul3A_206 : i32
        %add3A_208 = arith.addi %mul3A_2, %mul3A_207 : i32
        %dma_start3A_209 = tpu.memref_slice %arg2[%add3A_208] : memref<1048576xf32, #tpu.memory_space<hbm>> -> memref<2048xf32, #tpu.memory_space<hbm>>
        %dma_start3A_210 = tpu.memref_slice %arg2[%add3A_208] : memref<1048576xf32, #tpu.memory_space<hbm>> -> memref<2048xf32, #tpu.memory_space<hbm>>
        tpu.enqueue_dma source(%dma_start3A_210 : memref<2048xf32, #tpu.memory_space<hbm>>) target(%arg8 : memref<2048xf32, #tpu.memory_space<vmem>>) target_semaphore(%arg20 : memref<!tpu.dma_semaphore, #tpu.memory_space<semaphore_mem>>)
        %mul3A_211 = arith.constant 2048 : i32
        %mul3A_212 = arith.muli %add3A_205, %mul3A_211 : i32
        %add3A_213 = arith.addi %mul3A_2, %mul3A_212 : i32
        %dma_start3A_214 = tpu.memref_slice %arg3[%add3A_213] : memref<1048576xf32, #tpu.memory_space<hbm>> -> memref<2048xf32, #tpu.memory_space<hbm>>
        %dma_start3A_215 = tpu.memref_slice %arg3[%add3A_213] : memref<1048576xf32, #tpu.memory_space<hbm>> -> memref<2048xf32, #tpu.memory_space<hbm>>
        tpu.enqueue_dma source(%dma_start3A_215 : memref<2048xf32, #tpu.memory_space<hbm>>) target(%arg10 : memref<2048xf32, #tpu.memory_space<vmem>>) target_semaphore(%arg20 : memref<!tpu.dma_semaphore, #tpu.memory_space<semaphore_mem>>)
      } else {
      }
      %mul3A_115 = arith.constant 2 : i32
      %mul3A_116 = arith.muli %mul3A_115, %scan3A_69 : i32
      %dma_wait3A_117 = arith.constant 0 : i32
      %dma_wait3A_118 = tpu.memref_slice %arg14[%dma_wait3A_117] : memref<8192xf32, #tpu.memory_space<vmem>> -> memref<2048xf32, #tpu.memory_space<vmem>>
      %dma_wait3A_119 = arith.constant 0 : i32
      %dma_wait3A_120 = tpu.memref_slice %arg12[%dma_wait3A_119] : memref<8192xi32, #tpu.memory_space<vmem>> -> memref<2048xi32, #tpu.memory_space<vmem>>
      %dma_wait3A_121 = arith.constant 0 : i32
      %dma_wait3A_122 = tpu.memref_slice %arg4[%dma_wait3A_121] : memref<16777216xf32, #tpu.memory_space<hbm>> -> memref<16777216xf32, #tpu.memory_space<hbm>>
      tpu.wait_indirect_dma semaphore(%arg22 : memref<!tpu.dma_semaphore, #tpu.memory_space<semaphore_mem>>) src(%dma_wait3A_122 : memref<16777216xf32, #tpu.memory_space<hbm>>) dst(%dma_wait3A_118 : memref<2048xf32, #tpu.memory_space<vmem>>)
      %dma_wait3A_123 = arith.constant 2048 : i32
      %dma_wait3A_124 = tpu.memref_slice %arg14[%dma_wait3A_123] : memref<8192xf32, #tpu.memory_space<vmem>> -> memref<2048xf32, #tpu.memory_space<vmem>>
      %dma_wait3A_125 = arith.constant 2048 : i32
      %dma_wait3A_126 = tpu.memref_slice %arg12[%dma_wait3A_125] : memref<8192xi32, #tpu.memory_space<vmem>> -> memref<2048xi32, #tpu.memory_space<vmem>>
      %dma_wait3A_127 = arith.constant 0 : i32
      %dma_wait3A_128 = tpu.memref_slice %arg4[%dma_wait3A_127] : memref<16777216xf32, #tpu.memory_space<hbm>> -> memref<16777216xf32, #tpu.memory_space<hbm>>
      tpu.wait_indirect_dma semaphore(%arg22 : memref<!tpu.dma_semaphore, #tpu.memory_space<semaphore_mem>>) src(%dma_wait3A_128 : memref<16777216xf32, #tpu.memory_space<hbm>>) dst(%dma_wait3A_124 : memref<2048xf32, #tpu.memory_space<vmem>>)
      %dma_wait3A_129 = arith.constant 4096 : i32
      %dma_wait3A_130 = tpu.memref_slice %arg14[%dma_wait3A_129] : memref<8192xf32, #tpu.memory_space<vmem>> -> memref<2048xf32, #tpu.memory_space<vmem>>
      %dma_wait3A_131 = arith.constant 4096 : i32
      %dma_wait3A_132 = tpu.memref_slice %arg12[%dma_wait3A_131] : memref<8192xi32, #tpu.memory_space<vmem>> -> memref<2048xi32, #tpu.memory_space<vmem>>
      %dma_wait3A_133 = arith.constant 0 : i32
      %dma_wait3A_134 = tpu.memref_slice %arg4[%dma_wait3A_133] : memref<16777216xf32, #tpu.memory_space<hbm>> -> memref<16777216xf32, #tpu.memory_space<hbm>>
      tpu.wait_indirect_dma semaphore(%arg22 : memref<!tpu.dma_semaphore, #tpu.memory_space<semaphore_mem>>) src(%dma_wait3A_134 : memref<16777216xf32, #tpu.memory_space<hbm>>) dst(%dma_wait3A_130 : memref<2048xf32, #tpu.memory_space<vmem>>)
      %dma_wait3A_135 = arith.constant 6144 : i32
      %dma_wait3A_136 = tpu.memref_slice %arg14[%dma_wait3A_135] : memref<8192xf32, #tpu.memory_space<vmem>> -> memref<2048xf32, #tpu.memory_space<vmem>>
      %dma_wait3A_137 = arith.constant 6144 : i32
      %dma_wait3A_138 = tpu.memref_slice %arg12[%dma_wait3A_137] : memref<8192xi32, #tpu.memory_space<vmem>> -> memref<2048xi32, #tpu.memory_space<vmem>>
      %dma_wait3A_139 = arith.constant 0 : i32
      %dma_wait3A_140 = tpu.memref_slice %arg4[%dma_wait3A_139] : memref<16777216xf32, #tpu.memory_space<hbm>> -> memref<16777216xf32, #tpu.memory_space<hbm>>
      tpu.wait_indirect_dma semaphore(%arg22 : memref<!tpu.dma_semaphore, #tpu.memory_space<semaphore_mem>>) src(%dma_wait3A_140 : memref<16777216xf32, #tpu.memory_space<hbm>>) dst(%dma_wait3A_136 : memref<2048xf32, #tpu.memory_space<vmem>>)
      %ge3A = arith.constant 2 : i32
      %ge3A_141 = arith.cmpi sge, %mul3A_116, %ge3A : i32
      %convert_element_type3A_142 = arith.extui %ge3A_141 : i1 to i32
      %cond3A_143 = arith.constant 0 : i32
      %cond3A_144 = arith.cmpi ne, %convert_element_type3A_142, %cond3A_143 : i32
      scf.if %cond3A_144 {
        %dma_wait3A_204 = tpu.memref_slice %arg6[%mul3A_2] : memref<1048576xf32, #tpu.memory_space<hbm>> -> memref<2048xf32, #tpu.memory_space<hbm>>
        %dma_wait3A_205 = tpu.memref_slice %arg6[%mul3A_2] : memref<1048576xf32, #tpu.memory_space<hbm>> -> memref<2048xf32, #tpu.memory_space<hbm>>
        tpu.wait_dma2 semaphore(%arg24 : memref<!tpu.dma_semaphore, #tpu.memory_space<semaphore_mem>>) src(%arg18 : memref<2048xf32, #tpu.memory_space<vmem>>) dst(%dma_wait3A_205 : memref<2048xf32, #tpu.memory_space<hbm>>)
      } else {
      }
      %parallel_loop3A_145 = arith.constant 0 : i32
      %parallel_loop3A_146 = arith.constant 128 : i32
      %parallel_loop3A_147 = arith.constant 1 : i32
      scf.for %parallel_loop3A_204 = %parallel_loop3A_145 to %parallel_loop3A_146 step %parallel_loop3A_147  : i32 {
        %parallel_loop3A_205 = arith.constant 16 : i32
        %parallel_loop3A_206 = arith.muli %parallel_loop3A_204, %parallel_loop3A_205 : i32
        %parallel_loop3A_207 = arith.constant 32 : i32
        %parallel_loop3A_208 = arith.muli %parallel_loop3A_204, %parallel_loop3A_207 : i32
        %parallel_loop3A_209 = vector.broadcast %parallel_loop3A_208 : i32 to vector<16xi32>
        %parallel_loop3A_210 = arith.addi %parallel_loop3A_209, %mul3A_5 : vector<16xi32>
        %parallel_loop3A_211 = tpu.vector_load_idx %arg14[%parallel_loop3A_210] : memref<8192xf32, #tpu.memory_space<vmem>>[vector<16xi32>], vector<16xf32>,
        %parallel_loop3A_212 = arith.constant 1 : i32
        %parallel_loop3A_213 = vector.broadcast %parallel_loop3A_212 : i32 to vector<16xi32>
        %parallel_loop3A_214 = arith.addi %parallel_loop3A_210, %parallel_loop3A_213 : vector<16xi32>
        %parallel_loop3A_215 = tpu.vector_load_idx %arg14[%parallel_loop3A_214] : memref<8192xf32, #tpu.memory_space<vmem>>[vector<16xi32>], vector<16xf32>,
        %parallel_loop3A_216 = arith.constant 4096 : i32
        %parallel_loop3A_217 = vector.broadcast %parallel_loop3A_216 : i32 to vector<16xi32>
        %parallel_loop3A_218 = arith.addi %parallel_loop3A_217, %parallel_loop3A_210 : vector<16xi32>
        %parallel_loop3A_219 = tpu.vector_load_idx %arg14[%parallel_loop3A_218] : memref<8192xf32, #tpu.memory_space<vmem>>[vector<16xi32>], vector<16xf32>,
        %parallel_loop3A_220 = arith.constant 4096 : i32
        %parallel_loop3A_221 = vector.broadcast %parallel_loop3A_220 : i32 to vector<16xi32>
        %parallel_loop3A_222 = arith.addi %parallel_loop3A_221, %parallel_loop3A_210 : vector<16xi32>
        %parallel_loop3A_223 = arith.constant 1 : i32
        %parallel_loop3A_224 = vector.broadcast %parallel_loop3A_223 : i32 to vector<16xi32>
        %parallel_loop3A_225 = arith.addi %parallel_loop3A_222, %parallel_loop3A_224 : vector<16xi32>
        %parallel_loop3A_226 = tpu.vector_load_idx %arg14[%parallel_loop3A_225] : memref<8192xf32, #tpu.memory_space<vmem>>[vector<16xi32>], vector<16xf32>,
        %parallel_loop3A_227 = arith.index_cast %parallel_loop3A_206 : i32 to index
        %parallel_loop3A_228 = tpu.vector_load %arg16[%parallel_loop3A_227] {strides = array<i32>} : memref<4096xf32, #tpu.memory_space<vmem>>, vector<16xf32>,
        %parallel_loop3A_229 = arith.constant 2048 : i32
        %parallel_loop3A_230 = arith.addi %parallel_loop3A_229, %parallel_loop3A_206 : i32
        %parallel_loop3A_231 = arith.index_cast %parallel_loop3A_230 : i32 to index
        %parallel_loop3A_232 = tpu.vector_load %arg16[%parallel_loop3A_231] {strides = array<i32>} : memref<4096xf32, #tpu.memory_space<vmem>>, vector<16xf32>,
        %parallel_loop3A_233 = arith.subf %parallel_loop3A_215, %parallel_loop3A_211 : vector<16xf32>
        %parallel_loop3A_234 = arith.mulf %parallel_loop3A_228, %parallel_loop3A_233 : vector<16xf32>
        %parallel_loop3A_235 = arith.addf %parallel_loop3A_234, %parallel_loop3A_211 : vector<16xf32>
        %parallel_loop3A_236 = arith.subf %parallel_loop3A_226, %parallel_loop3A_219 : vector<16xf32>
        %parallel_loop3A_237 = arith.mulf %parallel_loop3A_228, %parallel_loop3A_236 : vector<16xf32>
        %parallel_loop3A_238 = arith.addf %parallel_loop3A_237, %parallel_loop3A_219 : vector<16xf32>
        %parallel_loop3A_239 = arith.subf %parallel_loop3A_238, %parallel_loop3A_235 : vector<16xf32>
        %parallel_loop3A_240 = arith.mulf %parallel_loop3A_232, %parallel_loop3A_239 : vector<16xf32>
        %parallel_loop3A_241 = arith.addf %parallel_loop3A_240, %parallel_loop3A_235 : vector<16xf32>
        %parallel_loop3A_242 = arith.index_cast %parallel_loop3A_206 : i32 to index
        %parallel_loop3A_243 = tpu.vector_load %arg18[%parallel_loop3A_242] {strides = array<i32>} : memref<2048xf32, #tpu.memory_space<vmem>>, vector<16xf32>,
        tpu.vector_store %arg18[%parallel_loop3A_242], %parallel_loop3A_241 {strides = array<i32>} : memref<2048xf32, #tpu.memory_space<vmem>>, vector<16xf32>,
      } {sc.loop_unroll_factor = 4 : i64, sc.parallel_access}
      %mul3A_148 = arith.constant 2048 : i32
      %mul3A_149 = arith.muli %mul3A_116, %mul3A_148 : i32
      %add3A_150 = arith.addi %mul3A_2, %mul3A_149 : i32
      %dma_start3A_151 = tpu.memref_slice %arg6[%add3A_150] : memref<1048576xf32, #tpu.memory_space<hbm>> -> memref<2048xf32, #tpu.memory_space<hbm>>
      %dma_start3A_152 = tpu.memref_slice %arg6[%add3A_150] : memref<1048576xf32, #tpu.memory_space<hbm>> -> memref<2048xf32, #tpu.memory_space<hbm>>
      tpu.enqueue_dma source(%arg18 : memref<2048xf32, #tpu.memory_space<vmem>>) target(%dma_start3A_152 : memref<2048xf32, #tpu.memory_space<hbm>>) target_semaphore(%arg24 : memref<!tpu.dma_semaphore, #tpu.memory_space<semaphore_mem>>)
      %add3A_153 = arith.constant 1 : i32
      %add3A_154 = arith.addi %add3A_73, %add3A_153 : i32
      %lt3A_155 = arith.constant 16 : i32
      %lt3A_156 = arith.cmpi slt, %add3A_154, %lt3A_155 : i32
      %convert_element_type3A_157 = arith.extui %lt3A_156 : i1 to i32
      %cond3A_158 = arith.constant 0 : i32
      %cond3A_159 = arith.cmpi ne, %convert_element_type3A_157, %cond3A_158 : i32
      scf.if %cond3A_159 {
        %add3A_204 = arith.constant 1 : i32
        %add3A_205 = arith.addi %add3A_73, %add3A_204 : i32
        %mul3A_206 = arith.constant 2048 : i32
        %mul3A_207 = arith.muli %add3A_205, %mul3A_206 : i32
        %add3A_208 = arith.addi %mul3A_2, %mul3A_207 : i32
        %dma_wait3A_209 = tpu.memref_slice %arg2[%add3A_208] : memref<1048576xf32, #tpu.memory_space<hbm>> -> memref<2048xf32, #tpu.memory_space<hbm>>
        %dma_wait3A_210 = tpu.memref_slice %arg2[%add3A_208] : memref<1048576xf32, #tpu.memory_space<hbm>> -> memref<2048xf32, #tpu.memory_space<hbm>>
        tpu.wait_dma2 semaphore(%arg20 : memref<!tpu.dma_semaphore, #tpu.memory_space<semaphore_mem>>) src(%dma_wait3A_210 : memref<2048xf32, #tpu.memory_space<hbm>>) dst(%arg8 : memref<2048xf32, #tpu.memory_space<vmem>>)
        %mul3A_211 = arith.constant 2048 : i32
        %mul3A_212 = arith.muli %add3A_205, %mul3A_211 : i32
        %add3A_213 = arith.addi %mul3A_2, %mul3A_212 : i32
        %dma_wait3A_214 = tpu.memref_slice %arg3[%add3A_213] : memref<1048576xf32, #tpu.memory_space<hbm>> -> memref<2048xf32, #tpu.memory_space<hbm>>
        %dma_wait3A_215 = tpu.memref_slice %arg3[%add3A_213] : memref<1048576xf32, #tpu.memory_space<hbm>> -> memref<2048xf32, #tpu.memory_space<hbm>>
        tpu.wait_dma2 semaphore(%arg20 : memref<!tpu.dma_semaphore, #tpu.memory_space<semaphore_mem>>) src(%dma_wait3A_215 : memref<2048xf32, #tpu.memory_space<hbm>>) dst(%arg10 : memref<2048xf32, #tpu.memory_space<vmem>>)
        %parallel_loop3A_216 = arith.constant 0 : i32
        %parallel_loop3A_217 = arith.constant 128 : i32
        %parallel_loop3A_218 = arith.constant 1 : i32
        scf.for %parallel_loop3A_243 = %parallel_loop3A_216 to %parallel_loop3A_217 step %parallel_loop3A_218  : i32 {
          %parallel_loop3A_244 = arith.constant 16 : i32
          %parallel_loop3A_245 = arith.muli %parallel_loop3A_243, %parallel_loop3A_244 : i32
          %parallel_loop3A_246 = arith.index_cast %parallel_loop3A_245 : i32 to index
          %parallel_loop3A_247 = tpu.vector_load %arg8[%parallel_loop3A_246] {strides = array<i32>} : memref<2048xf32, #tpu.memory_space<vmem>>, vector<16xf32>,
          %parallel_loop3A_248 = arith.index_cast %parallel_loop3A_245 : i32 to index
          %parallel_loop3A_249 = tpu.vector_load %arg10[%parallel_loop3A_248] {strides = array<i32>} : memref<2048xf32, #tpu.memory_space<vmem>>, vector<16xf32>,
          %parallel_loop3A_250 = arith.subf %parallel_loop3A_247, %get3A_6 : vector<16xf32>
          %parallel_loop3A_251 = arith.mulf %parallel_loop3A_250, %get3A_8 : vector<16xf32>
          %parallel_loop3A_252 = arith.subf %parallel_loop3A_249, %get3A_10 : vector<16xf32>
          %parallel_loop3A_253 = arith.mulf %parallel_loop3A_252, %get3A_12 : vector<16xf32>
          %parallel_loop3A_254 = arith.fptosi %parallel_loop3A_251 : vector<16xf32> to vector<16xi32>
          %parallel_loop3A_255 = arith.constant 0 : i32
          %parallel_loop3A_256 = vector.broadcast %parallel_loop3A_255 : i32 to vector<16xi32>
          %parallel_loop3A_257 = arith.maxsi %parallel_loop3A_254, %parallel_loop3A_256 : vector<16xi32>
          %parallel_loop3A_258 = arith.constant 4094 : i32
          %parallel_loop3A_259 = vector.broadcast %parallel_loop3A_258 : i32 to vector<16xi32>
          %parallel_loop3A_260 = arith.minsi %parallel_loop3A_257, %parallel_loop3A_259 : vector<16xi32>
          %parallel_loop3A_261 = arith.fptosi %parallel_loop3A_253 : vector<16xf32> to vector<16xi32>
          %parallel_loop3A_262 = arith.constant 0 : i32
          %parallel_loop3A_263 = vector.broadcast %parallel_loop3A_262 : i32 to vector<16xi32>
          %parallel_loop3A_264 = arith.maxsi %parallel_loop3A_261, %parallel_loop3A_263 : vector<16xi32>
          %parallel_loop3A_265 = arith.constant 4094 : i32
          %parallel_loop3A_266 = vector.broadcast %parallel_loop3A_265 : i32 to vector<16xi32>
          %parallel_loop3A_267 = arith.minsi %parallel_loop3A_264, %parallel_loop3A_266 : vector<16xi32>
          %parallel_loop3A_268 = arith.sitofp %parallel_loop3A_260 : vector<16xi32> to vector<16xf32>
          %parallel_loop3A_269 = arith.subf %parallel_loop3A_251, %parallel_loop3A_268 : vector<16xf32>
          %parallel_loop3A_270 = arith.constant 0.000000e+00 : f32
          %parallel_loop3A_271 = vector.broadcast %parallel_loop3A_270 : f32 to vector<16xf32>
          %parallel_loop3A_272 = arith.maximumf %parallel_loop3A_269, %parallel_loop3A_271 : vector<16xf32>
          %parallel_loop3A_273 = arith.constant 1.000000e+00 : f32
          %parallel_loop3A_274 = vector.broadcast %parallel_loop3A_273 : f32 to vector<16xf32>
          %parallel_loop3A_275 = arith.minimumf %parallel_loop3A_272, %parallel_loop3A_274 : vector<16xf32>
          %parallel_loop3A_276 = arith.sitofp %parallel_loop3A_267 : vector<16xi32> to vector<16xf32>
          %parallel_loop3A_277 = arith.subf %parallel_loop3A_253, %parallel_loop3A_276 : vector<16xf32>
          %parallel_loop3A_278 = arith.constant 0.000000e+00 : f32
          %parallel_loop3A_279 = vector.broadcast %parallel_loop3A_278 : f32 to vector<16xf32>
          %parallel_loop3A_280 = arith.maximumf %parallel_loop3A_277, %parallel_loop3A_279 : vector<16xf32>
          %parallel_loop3A_281 = arith.constant 1.000000e+00 : f32
          %parallel_loop3A_282 = vector.broadcast %parallel_loop3A_281 : f32 to vector<16xf32>
          %parallel_loop3A_283 = arith.minimumf %parallel_loop3A_280, %parallel_loop3A_282 : vector<16xf32>
          %parallel_loop3A_284 = arith.constant 12 : i32
          %parallel_loop3A_285 = vector.broadcast %parallel_loop3A_284 : i32 to vector<16xi32>
          %parallel_loop3A_286 = arith.shli %parallel_loop3A_260, %parallel_loop3A_285 : vector<16xi32>
          %parallel_loop3A_287 = arith.addi %parallel_loop3A_286, %parallel_loop3A_267 : vector<16xi32>
          %parallel_loop3A_288 = arith.constant 16 : i32
          %parallel_loop3A_289 = arith.muli %parallel_loop3A_243, %parallel_loop3A_288 : i32
          %parallel_loop3A_290 = arith.constant 32 : i32
          %parallel_loop3A_291 = arith.muli %parallel_loop3A_243, %parallel_loop3A_290 : i32
          %parallel_loop3A_292 = vector.broadcast %parallel_loop3A_291 : i32 to vector<16xi32>
          %parallel_loop3A_293 = arith.addi %parallel_loop3A_292, %mul3A_5 : vector<16xi32>
          tpu.vector_store_idx %arg12[%parallel_loop3A_293], %parallel_loop3A_287 : memref<8192xi32, #tpu.memory_space<vmem>>[vector<16xi32>], vector<16xi32>,
          %parallel_loop3A_294 = arith.constant 1 : i32
          %parallel_loop3A_295 = vector.broadcast %parallel_loop3A_294 : i32 to vector<16xi32>
          %parallel_loop3A_296 = arith.addi %parallel_loop3A_293, %parallel_loop3A_295 : vector<16xi32>
          %parallel_loop3A_297 = arith.constant 1 : i32
          %parallel_loop3A_298 = vector.broadcast %parallel_loop3A_297 : i32 to vector<16xi32>
          %parallel_loop3A_299 = arith.addi %parallel_loop3A_287, %parallel_loop3A_298 : vector<16xi32>
          tpu.vector_store_idx %arg12[%parallel_loop3A_296], %parallel_loop3A_299 : memref<8192xi32, #tpu.memory_space<vmem>>[vector<16xi32>], vector<16xi32>,
          %parallel_loop3A_300 = arith.constant 4096 : i32
          %parallel_loop3A_301 = vector.broadcast %parallel_loop3A_300 : i32 to vector<16xi32>
          %parallel_loop3A_302 = arith.addi %parallel_loop3A_301, %parallel_loop3A_293 : vector<16xi32>
          %parallel_loop3A_303 = arith.constant 4096 : i32
          %parallel_loop3A_304 = vector.broadcast %parallel_loop3A_303 : i32 to vector<16xi32>
          %parallel_loop3A_305 = arith.addi %parallel_loop3A_287, %parallel_loop3A_304 : vector<16xi32>
          tpu.vector_store_idx %arg12[%parallel_loop3A_302], %parallel_loop3A_305 : memref<8192xi32, #tpu.memory_space<vmem>>[vector<16xi32>], vector<16xi32>,
          %parallel_loop3A_306 = arith.constant 4096 : i32
          %parallel_loop3A_307 = vector.broadcast %parallel_loop3A_306 : i32 to vector<16xi32>
          %parallel_loop3A_308 = arith.addi %parallel_loop3A_307, %parallel_loop3A_293 : vector<16xi32>
          %parallel_loop3A_309 = arith.constant 1 : i32
          %parallel_loop3A_310 = vector.broadcast %parallel_loop3A_309 : i32 to vector<16xi32>
          %parallel_loop3A_311 = arith.addi %parallel_loop3A_308, %parallel_loop3A_310 : vector<16xi32>
          %parallel_loop3A_312 = arith.constant 4097 : i32
          %parallel_loop3A_313 = vector.broadcast %parallel_loop3A_312 : i32 to vector<16xi32>
          %parallel_loop3A_314 = arith.addi %parallel_loop3A_287, %parallel_loop3A_313 : vector<16xi32>
          tpu.vector_store_idx %arg12[%parallel_loop3A_311], %parallel_loop3A_314 : memref<8192xi32, #tpu.memory_space<vmem>>[vector<16xi32>], vector<16xi32>,
          %parallel_loop3A_315 = arith.index_cast %parallel_loop3A_289 : i32 to index
          %parallel_loop3A_316 = tpu.vector_load %arg16[%parallel_loop3A_315] {strides = array<i32>} : memref<4096xf32, #tpu.memory_space<vmem>>, vector<16xf32>,
          tpu.vector_store %arg16[%parallel_loop3A_315], %parallel_loop3A_283 {strides = array<i32>} : memref<4096xf32, #tpu.memory_space<vmem>>, vector<16xf32>,
          %parallel_loop3A_317 = arith.constant 2048 : i32
          %parallel_loop3A_318 = arith.addi %parallel_loop3A_317, %parallel_loop3A_289 : i32
          %parallel_loop3A_319 = arith.index_cast %parallel_loop3A_318 : i32 to index
          %parallel_loop3A_320 = tpu.vector_load %arg16[%parallel_loop3A_319] {strides = array<i32>} : memref<4096xf32, #tpu.memory_space<vmem>>, vector<16xf32>,
          tpu.vector_store %arg16[%parallel_loop3A_319], %parallel_loop3A_275 {strides = array<i32>} : memref<4096xf32, #tpu.memory_space<vmem>>, vector<16xf32>,
        } {sc.loop_unroll_factor = 4 : i64, sc.parallel_access}
        %dma_start3A_219 = arith.constant 0 : i32
        %dma_start3A_220 = tpu.memref_slice %arg14[%dma_start3A_219] : memref<8192xf32, #tpu.memory_space<vmem>> -> memref<2048xf32, #tpu.memory_space<vmem>>
        %dma_start3A_221 = arith.constant 0 : i32
        %dma_start3A_222 = tpu.memref_slice %arg12[%dma_start3A_221] : memref<8192xi32, #tpu.memory_space<vmem>> -> memref<2048xi32, #tpu.memory_space<vmem>>
        %dma_start3A_223 = arith.constant 0 : i32
        %dma_start3A_224 = tpu.memref_slice %arg4[%dma_start3A_223] : memref<16777216xf32, #tpu.memory_space<hbm>> -> memref<16777216xf32, #tpu.memory_space<hbm>>
        tpu.enqueue_indirect_dma source(%dma_start3A_224 : memref<16777216xf32, #tpu.memory_space<hbm>>) target(%dma_start3A_220 : memref<2048xf32, #tpu.memory_space<vmem>>) offsets(%dma_start3A_222 : memref<2048xi32, #tpu.memory_space<vmem>>) semaphore(%arg22 : memref<!tpu.dma_semaphore, #tpu.memory_space<semaphore_mem>>)
        %dma_start3A_225 = arith.constant 2048 : i32
        %dma_start3A_226 = tpu.memref_slice %arg14[%dma_start3A_225] : memref<8192xf32, #tpu.memory_space<vmem>> -> memref<2048xf32, #tpu.memory_space<vmem>>
        %dma_start3A_227 = arith.constant 2048 : i32
        %dma_start3A_228 = tpu.memref_slice %arg12[%dma_start3A_227] : memref<8192xi32, #tpu.memory_space<vmem>> -> memref<2048xi32, #tpu.memory_space<vmem>>
        %dma_start3A_229 = arith.constant 0 : i32
        %dma_start3A_230 = tpu.memref_slice %arg4[%dma_start3A_229] : memref<16777216xf32, #tpu.memory_space<hbm>> -> memref<16777216xf32, #tpu.memory_space<hbm>>
        tpu.enqueue_indirect_dma source(%dma_start3A_230 : memref<16777216xf32, #tpu.memory_space<hbm>>) target(%dma_start3A_226 : memref<2048xf32, #tpu.memory_space<vmem>>) offsets(%dma_start3A_228 : memref<2048xi32, #tpu.memory_space<vmem>>) semaphore(%arg22 : memref<!tpu.dma_semaphore, #tpu.memory_space<semaphore_mem>>)
        %dma_start3A_231 = arith.constant 4096 : i32
        %dma_start3A_232 = tpu.memref_slice %arg14[%dma_start3A_231] : memref<8192xf32, #tpu.memory_space<vmem>> -> memref<2048xf32, #tpu.memory_space<vmem>>
        %dma_start3A_233 = arith.constant 4096 : i32
        %dma_start3A_234 = tpu.memref_slice %arg12[%dma_start3A_233] : memref<8192xi32, #tpu.memory_space<vmem>> -> memref<2048xi32, #tpu.memory_space<vmem>>
        %dma_start3A_235 = arith.constant 0 : i32
        %dma_start3A_236 = tpu.memref_slice %arg4[%dma_start3A_235] : memref<16777216xf32, #tpu.memory_space<hbm>> -> memref<16777216xf32, #tpu.memory_space<hbm>>
        tpu.enqueue_indirect_dma source(%dma_start3A_236 : memref<16777216xf32, #tpu.memory_space<hbm>>) target(%dma_start3A_232 : memref<2048xf32, #tpu.memory_space<vmem>>) offsets(%dma_start3A_234 : memref<2048xi32, #tpu.memory_space<vmem>>) semaphore(%arg22 : memref<!tpu.dma_semaphore, #tpu.memory_space<semaphore_mem>>)
        %dma_start3A_237 = arith.constant 6144 : i32
        %dma_start3A_238 = tpu.memref_slice %arg14[%dma_start3A_237] : memref<8192xf32, #tpu.memory_space<vmem>> -> memref<2048xf32, #tpu.memory_space<vmem>>
        %dma_start3A_239 = arith.constant 6144 : i32
        %dma_start3A_240 = tpu.memref_slice %arg12[%dma_start3A_239] : memref<8192xi32, #tpu.memory_space<vmem>> -> memref<2048xi32, #tpu.memory_space<vmem>>
        %dma_start3A_241 = arith.constant 0 : i32
        %dma_start3A_242 = tpu.memref_slice %arg4[%dma_start3A_241] : memref<16777216xf32, #tpu.memory_space<hbm>> -> memref<16777216xf32, #tpu.memory_space<hbm>>
        tpu.enqueue_indirect_dma source(%dma_start3A_242 : memref<16777216xf32, #tpu.memory_space<hbm>>) target(%dma_start3A_238 : memref<2048xf32, #tpu.memory_space<vmem>>) offsets(%dma_start3A_240 : memref<2048xi32, #tpu.memory_space<vmem>>) semaphore(%arg22 : memref<!tpu.dma_semaphore, #tpu.memory_space<semaphore_mem>>)
      } else {
      }
      %add3A_160 = arith.constant 2 : i32
      %add3A_161 = arith.addi %add3A_73, %add3A_160 : i32
      %lt3A_162 = arith.constant 16 : i32
      %lt3A_163 = arith.cmpi slt, %add3A_161, %lt3A_162 : i32
      %convert_element_type3A_164 = arith.extui %lt3A_163 : i1 to i32
      %cond3A_165 = arith.constant 0 : i32
      %cond3A_166 = arith.cmpi ne, %convert_element_type3A_164, %cond3A_165 : i32
      scf.if %cond3A_166 {
        %add3A_204 = arith.constant 2 : i32
        %add3A_205 = arith.addi %add3A_73, %add3A_204 : i32
        %mul3A_206 = arith.constant 2048 : i32
        %mul3A_207 = arith.muli %add3A_205, %mul3A_206 : i32
        %add3A_208 = arith.addi %mul3A_2, %mul3A_207 : i32
        %dma_start3A_209 = tpu.memref_slice %arg2[%add3A_208] : memref<1048576xf32, #tpu.memory_space<hbm>> -> memref<2048xf32, #tpu.memory_space<hbm>>
        %dma_start3A_210 = tpu.memref_slice %arg2[%add3A_208] : memref<1048576xf32, #tpu.memory_space<hbm>> -> memref<2048xf32, #tpu.memory_space<hbm>>
        tpu.enqueue_dma source(%dma_start3A_210 : memref<2048xf32, #tpu.memory_space<hbm>>) target(%arg9 : memref<2048xf32, #tpu.memory_space<vmem>>) target_semaphore(%arg21 : memref<!tpu.dma_semaphore, #tpu.memory_space<semaphore_mem>>)
        %mul3A_211 = arith.constant 2048 : i32
        %mul3A_212 = arith.muli %add3A_205, %mul3A_211 : i32
        %add3A_213 = arith.addi %mul3A_2, %mul3A_212 : i32
        %dma_start3A_214 = tpu.memref_slice %arg3[%add3A_213] : memref<1048576xf32, #tpu.memory_space<hbm>> -> memref<2048xf32, #tpu.memory_space<hbm>>
        %dma_start3A_215 = tpu.memref_slice %arg3[%add3A_213] : memref<1048576xf32, #tpu.memory_space<hbm>> -> memref<2048xf32, #tpu.memory_space<hbm>>
        tpu.enqueue_dma source(%dma_start3A_215 : memref<2048xf32, #tpu.memory_space<hbm>>) target(%arg11 : memref<2048xf32, #tpu.memory_space<vmem>>) target_semaphore(%arg21 : memref<!tpu.dma_semaphore, #tpu.memory_space<semaphore_mem>>)
      } else {
      }
      %dma_wait3A_167 = arith.constant 0 : i32
      %dma_wait3A_168 = tpu.memref_slice %arg15[%dma_wait3A_167] : memref<8192xf32, #tpu.memory_space<vmem>> -> memref<2048xf32, #tpu.memory_space<vmem>>
      %dma_wait3A_169 = arith.constant 0 : i32
      %dma_wait3A_170 = tpu.memref_slice %arg13[%dma_wait3A_169] : memref<8192xi32, #tpu.memory_space<vmem>> -> memref<2048xi32, #tpu.memory_space<vmem>>
      %dma_wait3A_171 = arith.constant 0 : i32
      %dma_wait3A_172 = tpu.memref_slice %arg4[%dma_wait3A_171] : memref<16777216xf32, #tpu.memory_space<hbm>> -> memref<16777216xf32, #tpu.memory_space<hbm>>
      tpu.wait_indirect_dma semaphore(%arg23 : memref<!tpu.dma_semaphore, #tpu.memory_space<semaphore_mem>>) src(%dma_wait3A_172 : memref<16777216xf32, #tpu.memory_space<hbm>>) dst(%dma_wait3A_168 : memref<2048xf32, #tpu.memory_space<vmem>>)
      %dma_wait3A_173 = arith.constant 2048 : i32
      %dma_wait3A_174 = tpu.memref_slice %arg15[%dma_wait3A_173] : memref<8192xf32, #tpu.memory_space<vmem>> -> memref<2048xf32, #tpu.memory_space<vmem>>
      %dma_wait3A_175 = arith.constant 2048 : i32
      %dma_wait3A_176 = tpu.memref_slice %arg13[%dma_wait3A_175] : memref<8192xi32, #tpu.memory_space<vmem>> -> memref<2048xi32, #tpu.memory_space<vmem>>
      %dma_wait3A_177 = arith.constant 0 : i32
      %dma_wait3A_178 = tpu.memref_slice %arg4[%dma_wait3A_177] : memref<16777216xf32, #tpu.memory_space<hbm>> -> memref<16777216xf32, #tpu.memory_space<hbm>>
      tpu.wait_indirect_dma semaphore(%arg23 : memref<!tpu.dma_semaphore, #tpu.memory_space<semaphore_mem>>) src(%dma_wait3A_178 : memref<16777216xf32, #tpu.memory_space<hbm>>) dst(%dma_wait3A_174 : memref<2048xf32, #tpu.memory_space<vmem>>)
      %dma_wait3A_179 = arith.constant 4096 : i32
      %dma_wait3A_180 = tpu.memref_slice %arg15[%dma_wait3A_179] : memref<8192xf32, #tpu.memory_space<vmem>> -> memref<2048xf32, #tpu.memory_space<vmem>>
      %dma_wait3A_181 = arith.constant 4096 : i32
      %dma_wait3A_182 = tpu.memref_slice %arg13[%dma_wait3A_181] : memref<8192xi32, #tpu.memory_space<vmem>> -> memref<2048xi32, #tpu.memory_space<vmem>>
      %dma_wait3A_183 = arith.constant 0 : i32
      %dma_wait3A_184 = tpu.memref_slice %arg4[%dma_wait3A_183] : memref<16777216xf32, #tpu.memory_space<hbm>> -> memref<16777216xf32, #tpu.memory_space<hbm>>
      tpu.wait_indirect_dma semaphore(%arg23 : memref<!tpu.dma_semaphore, #tpu.memory_space<semaphore_mem>>) src(%dma_wait3A_184 : memref<16777216xf32, #tpu.memory_space<hbm>>) dst(%dma_wait3A_180 : memref<2048xf32, #tpu.memory_space<vmem>>)
      %dma_wait3A_185 = arith.constant 6144 : i32
      %dma_wait3A_186 = tpu.memref_slice %arg15[%dma_wait3A_185] : memref<8192xf32, #tpu.memory_space<vmem>> -> memref<2048xf32, #tpu.memory_space<vmem>>
      %dma_wait3A_187 = arith.constant 6144 : i32
      %dma_wait3A_188 = tpu.memref_slice %arg13[%dma_wait3A_187] : memref<8192xi32, #tpu.memory_space<vmem>> -> memref<2048xi32, #tpu.memory_space<vmem>>
      %dma_wait3A_189 = arith.constant 0 : i32
      %dma_wait3A_190 = tpu.memref_slice %arg4[%dma_wait3A_189] : memref<16777216xf32, #tpu.memory_space<hbm>> -> memref<16777216xf32, #tpu.memory_space<hbm>>
      tpu.wait_indirect_dma semaphore(%arg23 : memref<!tpu.dma_semaphore, #tpu.memory_space<semaphore_mem>>) src(%dma_wait3A_190 : memref<16777216xf32, #tpu.memory_space<hbm>>) dst(%dma_wait3A_186 : memref<2048xf32, #tpu.memory_space<vmem>>)
      %ge3A_191 = arith.constant 2 : i32
      %ge3A_192 = arith.cmpi sge, %add3A_73, %ge3A_191 : i32
      %convert_element_type3A_193 = arith.extui %ge3A_192 : i1 to i32
      %cond3A_194 = arith.constant 0 : i32
      %cond3A_195 = arith.cmpi ne, %convert_element_type3A_193, %cond3A_194 : i32
      scf.if %cond3A_195 {
        %dma_wait3A_204 = tpu.memref_slice %arg6[%mul3A_2] : memref<1048576xf32, #tpu.memory_space<hbm>> -> memref<2048xf32, #tpu.memory_space<hbm>>
        %dma_wait3A_205 = tpu.memref_slice %arg6[%mul3A_2] : memref<1048576xf32, #tpu.memory_space<hbm>> -> memref<2048xf32, #tpu.memory_space<hbm>>
        tpu.wait_dma2 semaphore(%arg25 : memref<!tpu.dma_semaphore, #tpu.memory_space<semaphore_mem>>) src(%arg19 : memref<2048xf32, #tpu.memory_space<vmem>>) dst(%dma_wait3A_205 : memref<2048xf32, #tpu.memory_space<hbm>>)
      } else {
      }
      %parallel_loop3A_196 = arith.constant 0 : i32
      %parallel_loop3A_197 = arith.constant 128 : i32
      %parallel_loop3A_198 = arith.constant 1 : i32
      scf.for %parallel_loop3A_204 = %parallel_loop3A_196 to %parallel_loop3A_197 step %parallel_loop3A_198  : i32 {
        %parallel_loop3A_205 = arith.constant 16 : i32
        %parallel_loop3A_206 = arith.muli %parallel_loop3A_204, %parallel_loop3A_205 : i32
        %parallel_loop3A_207 = arith.constant 32 : i32
        %parallel_loop3A_208 = arith.muli %parallel_loop3A_204, %parallel_loop3A_207 : i32
        %parallel_loop3A_209 = vector.broadcast %parallel_loop3A_208 : i32 to vector<16xi32>
        %parallel_loop3A_210 = arith.addi %parallel_loop3A_209, %mul3A_5 : vector<16xi32>
        %parallel_loop3A_211 = tpu.vector_load_idx %arg15[%parallel_loop3A_210] : memref<8192xf32, #tpu.memory_space<vmem>>[vector<16xi32>], vector<16xf32>,
        %parallel_loop3A_212 = arith.constant 1 : i32
        %parallel_loop3A_213 = vector.broadcast %parallel_loop3A_212 : i32 to vector<16xi32>
        %parallel_loop3A_214 = arith.addi %parallel_loop3A_210, %parallel_loop3A_213 : vector<16xi32>
        %parallel_loop3A_215 = tpu.vector_load_idx %arg15[%parallel_loop3A_214] : memref<8192xf32, #tpu.memory_space<vmem>>[vector<16xi32>], vector<16xf32>,
        %parallel_loop3A_216 = arith.constant 4096 : i32
        %parallel_loop3A_217 = vector.broadcast %parallel_loop3A_216 : i32 to vector<16xi32>
        %parallel_loop3A_218 = arith.addi %parallel_loop3A_217, %parallel_loop3A_210 : vector<16xi32>
        %parallel_loop3A_219 = tpu.vector_load_idx %arg15[%parallel_loop3A_218] : memref<8192xf32, #tpu.memory_space<vmem>>[vector<16xi32>], vector<16xf32>,
        %parallel_loop3A_220 = arith.constant 4096 : i32
        %parallel_loop3A_221 = vector.broadcast %parallel_loop3A_220 : i32 to vector<16xi32>
        %parallel_loop3A_222 = arith.addi %parallel_loop3A_221, %parallel_loop3A_210 : vector<16xi32>
        %parallel_loop3A_223 = arith.constant 1 : i32
        %parallel_loop3A_224 = vector.broadcast %parallel_loop3A_223 : i32 to vector<16xi32>
        %parallel_loop3A_225 = arith.addi %parallel_loop3A_222, %parallel_loop3A_224 : vector<16xi32>
        %parallel_loop3A_226 = tpu.vector_load_idx %arg15[%parallel_loop3A_225] : memref<8192xf32, #tpu.memory_space<vmem>>[vector<16xi32>], vector<16xf32>,
        %parallel_loop3A_227 = arith.index_cast %parallel_loop3A_206 : i32 to index
        %parallel_loop3A_228 = tpu.vector_load %arg17[%parallel_loop3A_227] {strides = array<i32>} : memref<4096xf32, #tpu.memory_space<vmem>>, vector<16xf32>,
        %parallel_loop3A_229 = arith.constant 2048 : i32
        %parallel_loop3A_230 = arith.addi %parallel_loop3A_229, %parallel_loop3A_206 : i32
        %parallel_loop3A_231 = arith.index_cast %parallel_loop3A_230 : i32 to index
        %parallel_loop3A_232 = tpu.vector_load %arg17[%parallel_loop3A_231] {strides = array<i32>} : memref<4096xf32, #tpu.memory_space<vmem>>, vector<16xf32>,
        %parallel_loop3A_233 = arith.subf %parallel_loop3A_215, %parallel_loop3A_211 : vector<16xf32>
        %parallel_loop3A_234 = arith.mulf %parallel_loop3A_228, %parallel_loop3A_233 : vector<16xf32>
        %parallel_loop3A_235 = arith.addf %parallel_loop3A_234, %parallel_loop3A_211 : vector<16xf32>
        %parallel_loop3A_236 = arith.subf %parallel_loop3A_226, %parallel_loop3A_219 : vector<16xf32>
        %parallel_loop3A_237 = arith.mulf %parallel_loop3A_228, %parallel_loop3A_236 : vector<16xf32>
        %parallel_loop3A_238 = arith.addf %parallel_loop3A_237, %parallel_loop3A_219 : vector<16xf32>
        %parallel_loop3A_239 = arith.subf %parallel_loop3A_238, %parallel_loop3A_235 : vector<16xf32>
        %parallel_loop3A_240 = arith.mulf %parallel_loop3A_232, %parallel_loop3A_239 : vector<16xf32>
        %parallel_loop3A_241 = arith.addf %parallel_loop3A_240, %parallel_loop3A_235 : vector<16xf32>
        %parallel_loop3A_242 = arith.index_cast %parallel_loop3A_206 : i32 to index
        %parallel_loop3A_243 = tpu.vector_load %arg19[%parallel_loop3A_242] {strides = array<i32>} : memref<2048xf32, #tpu.memory_space<vmem>>, vector<16xf32>,
        tpu.vector_store %arg19[%parallel_loop3A_242], %parallel_loop3A_241 {strides = array<i32>} : memref<2048xf32, #tpu.memory_space<vmem>>, vector<16xf32>,
      } {sc.loop_unroll_factor = 4 : i64, sc.parallel_access}
      %mul3A_199 = arith.constant 2048 : i32
      %mul3A_200 = arith.muli %add3A_73, %mul3A_199 : i32
      %add3A_201 = arith.addi %mul3A_2, %mul3A_200 : i32
      %dma_start3A_202 = tpu.memref_slice %arg6[%add3A_201] : memref<1048576xf32, #tpu.memory_space<hbm>> -> memref<2048xf32, #tpu.memory_space<hbm>>
      %dma_start3A_203 = tpu.memref_slice %arg6[%add3A_201] : memref<1048576xf32, #tpu.memory_space<hbm>> -> memref<2048xf32, #tpu.memory_space<hbm>>
      tpu.enqueue_dma source(%arg19 : memref<2048xf32, #tpu.memory_space<vmem>>) target(%dma_start3A_203 : memref<2048xf32, #tpu.memory_space<hbm>>) target_semaphore(%arg25 : memref<!tpu.dma_semaphore, #tpu.memory_space<semaphore_mem>>)
    }
    %scan3A_64 = arith.constant 8 : i32
    %dma_wait3A_65 = tpu.memref_slice %arg6[%mul3A_2] : memref<1048576xf32, #tpu.memory_space<hbm>> -> memref<2048xf32, #tpu.memory_space<hbm>>
    %dma_wait3A_66 = tpu.memref_slice %arg6[%mul3A_2] : memref<1048576xf32, #tpu.memory_space<hbm>> -> memref<2048xf32, #tpu.memory_space<hbm>>
    tpu.wait_dma2 semaphore(%arg24 : memref<!tpu.dma_semaphore, #tpu.memory_space<semaphore_mem>>) src(%arg18 : memref<2048xf32, #tpu.memory_space<vmem>>) dst(%dma_wait3A_66 : memref<2048xf32, #tpu.memory_space<hbm>>)
    %dma_wait3A_67 = tpu.memref_slice %arg6[%mul3A_2] : memref<1048576xf32, #tpu.memory_space<hbm>> -> memref<2048xf32, #tpu.memory_space<hbm>>
    %dma_wait3A_68 = tpu.memref_slice %arg6[%mul3A_2] : memref<1048576xf32, #tpu.memory_space<hbm>> -> memref<2048xf32, #tpu.memory_space<hbm>>
    tpu.wait_dma2 semaphore(%arg25 : memref<!tpu.dma_semaphore, #tpu.memory_space<semaphore_mem>>) src(%arg19 : memref<2048xf32, #tpu.memory_space<vmem>>) dst(%dma_wait3A_68 : memref<2048xf32, #tpu.memory_space<hbm>>)
    return
  }
}

</mosaic_0001>

<sc_bundles>
// kernel: _run.3.cloned.1.call-start
scs
__scs_entry_jumppad:
0x0: {  	(pc) =	sbr.rel $0x88, $3  }
0x1: {  	(tag) =	ssettag $0x0;
	lr =	simm.s32 $0x1  }
0x2: {  	[smem:$0x3F9D] =	sst lr;
	_ =	strace $0xD0000000  }
0x3: {  	_ = 	snop  }
0x4: {  	_ = 	snop  }
0x5: {  	_ = 	snop  }
0x6: {  	_ = 	snop  }
0x7: {  	_ = 	snop  }
__scs_overlays_trampoline_lowered:
0x8: {  	[smem:$0x3FAC] =	sst s0  }
0x9: {  	[smem:$0x3FAD] =	sst s1  }
0xa: {  	[smem:$0x3FAE] =	sst s2  }
0xb: {  	[smem:$0x3FAF] =	sst s3  }
0xc: {  	[smem:$0x3FB0] =	sst s4  }
0xd: {  	[smem:$0x3FB1] =	sst s5  }
0xe: {  	[smem:$0x3FB2] =	sst s6  }
0xf: {  	[smem:$0x3FB3] =	sst s7  }
0x10: {  	[smem:$0x3FB4] =	sst s8  }
0x11: {  	[smem:$0x3FB5] =	sst s9;
	s0 =	simm.s32 @!p0 $0x0  }
0x12: {  	s1 =	sld [smem:$0x3F9B];
	s0 =	simm.s32 @p0 $0x1  }
0x13: {  	[smem:$0x3FB6] =	sst s0;
	s0 =	simm.s32 @!p1 $0x0  }
0x14: {  	s2 =	sld [smem:$0x3F9A];
	s0 =	simm.s32 @p1 $0x1  }
0x15: {  	[smem:$0x3FB7] =	sst s0;
	s0 =	simm.s32 @!p2 $0x0  }
0x16: {  	s3 =	sld [smem:$0x3FDB];
	s0 =	simm.s32 @p2 $0x1  }
0x17: {  	s4 =	simm.s32 $0x1BF5;
	[smem:$0x3FB9] =	sst s0  }
0x18: {  	s0 =	sld [smem:$0x3F9C];
	_ =	swait.ge [sflag:s4], $0x0  }
0x19: {  	s7 =	sld [smem:$0x3F9D]  }
0x1a: {  	s8 =	sadd.s32 $0xFFFFE003, lr  }
0x1b: {  	s9 =	sadd.s32 $0xFFFFFEF7, lr;
	s5 =	simm.s32 $0xFFFFFFFF;
	p2 =	slt.u32 s8, $0xFFFFF086  }
0x1c: {  	p1 =	slt.u32 s9, $0xF7A;
	s5 =	simm.s32 @!p2 $0x0  }
0x1d: {  	s5 =	simm.s32 @p1 $0x1;
	p0 =	seq.s32 s7, s2  }
0x1e: {  	s7 =	smul.u32 @!p0 $0xF7A, s2;
	p2 =	seq.s32 @!p0 s5, $0x0  }
0x1f: {  	s9 =	smul.u32 $0xF7A, s1;
	s8 =	simm.s32 @!p0 $0x1BF5;
	p2 =	por !p2, p0  }
0x20: {  	[sflag:s8] =	ssyncset.s32 @!p0 $0xFFFFF086;
	s6 =	sadd.s32 @!p0 s3, s7;
	s7 =	simm.s32 @!p0 $0x108  }
0x21: {  	s3 =	sadd.s32 s3, s9;
	s6 =	sadd.s32 @!p0 $0x88, s6;
	s7 =	simm.s32 @p2 $0x1082  }
0x22: {  	[simem:s7], [sflag:s8] =	dma.local @!p0 [hbm:s6], $0xF7A  }
0x23: {  	s9 =	sor.u32 $0xD0000000, s2;
	s6 =	simm.s32 $0x108;
	_ =	swait.ge @!p0 [sflag:s8], $0x0  }
0x24: {  	s3 =	sadd.s32 $0x88, s3;
	s6 =	simm.s32 @!p1 $0x1082;
	[sflag:s4] =	ssyncset.s32 $0xFFFFF086  }
0x25: {  	[simem:s6], [sflag:s4] =	dma.local [hbm:s3], $0xF7A  }
0x26: {  	[smem:$0x3F9D] =	sst s1;
	(tag) =	ssettag s2;
	_ =	strace s9  }
0x27: {  	s1 =	sld [smem:$0x3FAD]  }
0x28: {  	s2 =	sld [smem:$0x3FAE]  }
0x29: {  	s4 =	sld [smem:$0x3FB0]  }
0x2a: {  	p0 =	seq.s32 s5, $0x0;
	s5 =	sld [smem:$0x3FB1]  }
0x2b: {  	s6 =	sld [smem:$0x3FB2]  }
0x2c: {  	s7 =	sld [smem:$0x3FB3]  }
0x2d: {  	s3 =	simm.s32 $0x108;
	s8 =	sld [smem:$0x3FB4]  }
0x2e: {  	s3 =	simm.s32 @!p0 $0x1082;
	s9 =	sld [smem:$0x3FB5]  }
0x2f: {  	lr =	sadd.s32 s0, s3;
	s0 =	sld [smem:$0x3FAC]  }
0x30: {  	s3 =	sld [smem:$0x3FAF]  }
0x31: {  	[smem:$0x3FB8] =	sst s10  }
0x32: {  	s10 =	sld [smem:$0x3FB6];
	_ =	sdelay $0x3  }
0x33: {  	p0 =	seq.s32 s10, $0x1;
	s10 =	sld [smem:$0x3FB8];
	_ =	sdelay $0x3  }
0x34: {  	[smem:$0x3FB8] =	sst s10  }
0x35: {  	s10 =	sld [smem:$0x3FB7];
	_ =	sdelay $0x3  }
0x36: {  	p1 =	seq.s32 s10, $0x1;
	s10 =	sld [smem:$0x3FB8];
	_ =	sdelay $0x3  }
0x37: {  	[smem:$0x3FB8] =	sst s10  }
0x38: {  	s10 =	sld [smem:$0x3FB9]  }
0x39: {  	_ = 	snop;
	(pc) =	sbr.ind lr, $3  }
0x3a: {  	_ = 	snop  }
0x3b: {  	_ = 	snop  }
0x3c: {  	p2 =	seq.s32 s10, $0x1;
	s10 =	sld [smem:$0x3FB8]  }
0x3d: {  	_ =	shalt  }
0x3e: {  	_ =	shalt  }
0x3f: {  	_ =	shalt  }
0x40: {  	_ =	shalt  }
0x41: {  	_ =	shalt  }
0x42: {  	_ =	shalt  }
0x43: {  	_ =	shalt  }
0x44: {  	_ =	shalt  }
0x45: {  	_ =	shalt  }
0x46: {  	_ =	shalt  }
0x47: {  	_ =	shalt  }
0x48: {  	_ =	shalt  }
0x49: {  	_ =	shalt  }
0x4a: {  	_ =	shalt  }
0x4b: {  	_ =	shalt  }
0x4c: {  	_ =	shalt  }
0x4d: {  	_ =	shalt  }
0x4e: {  	_ =	shalt  }
0x4f: {  	_ =	shalt  }
0x50: {  	_ =	shalt  }
0x51: {  	_ =	shalt  }
0x52: {  	_ =	shalt  }
0x53: {  	_ =	shalt  }
0x54: {  	_ =	shalt  }
0x55: {  	_ =	shalt  }
0x56: {  	_ =	shalt  }
0x57: {  	_ =	shalt  }
0x58: {  	_ =	shalt  }
0x59: {  	_ =	shalt  }
0x5a: {  	_ =	shalt  }
0x5b: {  	_ =	shalt  }
0x5c: {  	_ =	shalt  }
0x5d: {  	_ =	shalt  }
0x5e: {  	_ =	shalt  }
0x5f: {  	_ =	shalt  }
0x60: {  	_ =	shalt  }
0x61: {  	_ =	shalt  }
0x62: {  	_ =	shalt  }
0x63: {  	_ =	shalt  }
0x64: {  	_ =	shalt  }
0x65: {  	_ =	shalt  }
0x66: {  	_ =	shalt  }
0x67: {  	_ =	shalt  }
0x68: {  	_ =	shalt  }
0x69: {  	_ =	shalt  }
0x6a: {  	_ =	shalt  }
0x6b: {  	_ =	shalt  }
0x6c: {  	_ =	shalt  }
0x6d: {  	_ =	shalt  }
0x6e: {  	_ =	shalt  }
0x6f: {  	_ =	shalt  }
0x70: {  	_ =	shalt  }
0x71: {  	_ =	shalt  }
0x72: {  	_ =	shalt  }
0x73: {  	_ =	shalt  }
0x74: {  	_ =	shalt  }
0x75: {  	_ =	shalt  }
0x76: {  	_ =	shalt  }
0x77: {  	_ =	shalt  }
0x78: {  	_ =	shalt  }
0x79: {  	_ =	shalt  }
0x7a: {  	_ =	shalt  }
0x7b: {  	_ =	shalt  }
0x7c: {  	_ =	shalt  }
0x7d: {  	_ =	shalt  }
0x7e: {  	_ =	shalt  }
0x7f: {  	_ =	shalt  }
0x80: {  	_ =	shalt  }
0x81: {  	_ =	shalt  }
0x82: {  	_ =	shalt  }
0x83: {  	_ =	shalt  }
0x84: {  	_ =	shalt  }
0x85: {  	_ =	shalt  }
0x86: {  	_ =	shalt  }
0x87: {  	_ =	shalt  }
.Lfunc_end0:
.L_simem_size_0:
called_computation_lowered:
.L_overlay_start_0:
0x88: {  	s2 =	sld [smem:$0x3FD9]  }
0x89: {  	s3 =	sld [smem:$0x3FFE];
	_ =	sdelay $0x1  }
0x8a: {  	s1 =	srdreg.scid  }
0x8b: {  	s0 =	sand.u32 $0x1, s1  }
0x8c: {  	s18 =	sshll.u32 s0, $0xA;
	s2 =	sadd.s32 s3, s2  }
0x8d: {  	s2 =	sadd.s32 s2, s18  }
0x8e: {  	[smem:$0x3FC4] =	sst s2  }
0x8f: {  	_ = 	snop  }
0x90: {  	s2 =	sld [smem:$0x3FC9]  }
0x91: {  	s19 =	sld [smem:$0x3FC8]  }
0x92: {  	s4 =	sld [smem:$0x3FC7]  }
0x93: {  	s5 =	sld [smem:$0x3FC6]  }
0x94: {  	s6 =	sld [smem:$0x3FD0];
	(tm) =	ssettm $0x1  }
0x95: {  	s7 =	sld [smem:$0x3FFB];
	_ =	sdelay $0x3  }
0x96: {  	_ =	strace s7  }
0x97: {  	s7 =	sld [smem:$0x3FFC];
	_ =	sdelay $0x3  }
0x98: {  	_ =	strace s7  }
0x99: {  	s7 =	sld [smem:$0x3FFD];
	_ =	sdelay $0x3  }
0x9a: {  	_ =	strace s7  }
0x9b: {  	_ =	strace $0x8FFFFFFF  }
0x9c: {  	s20 =	sld [smem:$0x3FDB];
	_ =	sdelay $0x1  }
0x9d: {  	s8 =	simm.s32 $_scs_section_size  }
0x9e: {  	s9 =	simm.s32 $_size__tile_overlayer_lowered;
	s10 =	simm.s32 $_tile_overlayer_lowered  }
0x9f: {  	s23 =	simm.s32 $0x1BFF;
	s22 =	sshll.u32 s10, $0x1;
	s7 =	sadd.s32 s8, s20  }
0xa0: {  	s11 =	simm.s32 $0x0;
	s21 =	sshll.u32 s9, $0x1;
	s9 =	sadd.s32 s22, s7  }
0xa1: {  	[timem:s11], [sflag:s23] =	dma.local [hbm:s9], s21  }
0xa2: {  	_ =	swait.ge [sflag:s23], s21  }
0xa3: {  	s8 =	ssub.s32 $0x0, s21;
	[sflag:s23] =	ssyncset.done $0x0  }
0xa4: {  	[sflag:s23] =	ssyncadd.s32 s8;
	_ =	sdelay $0x1  }
0xa5: {  	s24 =	simm.s32 $0x1B8B  }
0xa6: {  	_ =	swait.ge [sflag:s24], $0x1  }
0xa7: {  	[sflag:s24] =	ssyncset.done $0x0  }
0xa8: {  	s25 =	simm.s32 $0x1B8E;
	[sflag:s24] =	ssyncadd.s32 $0xFFFFFFFF  }
0xa9: {  	s26 =	simm.s32 $execute0_lowered;
	[smem:$0x3FD2] =	sst s25  }
0xaa: {  	s8 =	sshll.u32 s26, $0x1;
	_ =	strace $0x80000046;
	[dreg:$0x1] =	wrdreg $0xFFFFFFFF  }
0xab: {  	s28 =	simm.s32 $_size_execute0_lowered;
	s7 =	sadd.s32 s7, s8;
	[dreg:$0x0] =	wrdreg $0x0  }
0xac: {  	s8 =	sshll.u32 s28, $0x1;
	[dreg:$0x2] =	wrdreg s7  }
0xad: {  	[dreg:$0x3] =	wrdreg s8  }
0xae: {  	[dreg:$0x4] =	wrdreg $0xC0  }
0xaf: {  	_ =	task [dreg:s11], $0x5FFFF  }
0xb0: {  	[dreg:$0x1] =	wrdreg $0xFFFFFFFF  }
0xb1: {  	[dreg:$0x0] =	wrdreg $0x60  }
0xb2: {  	[dreg:$0x2] =	wrdreg s2  }
0xb3: {  	[dreg:$0x3] =	wrdreg s19  }
0xb4: {  	[dreg:$0x4] =	wrdreg s4  }
0xb5: {  	[dreg:$0x5] =	wrdreg s5  }
0xb6: {  	[dreg:$0x6] =	wrdreg s6  }
0xb7: {  	[dreg:$0x7] =	wrdreg $0x9  }
0xb8: {  	_ =	task.clear_ibuf [dreg:s11], $0x8FFFF;
	_ =	strace $0x90000046  }
0xb9: {  	s29 =	simm.s32 $0x9;
	_ =	strace $0x80000048  }
0xba: {  	_ =	swait.ge [sflag:s29], $0x1  }
0xbb: {  	[sflag:s29] =	ssyncadd.s32 $0xFFFFFFFF  }
0xbc: {  	_ =	strace $0x90000048  }
0xbd: {  	_ =	sfence  }
0xbe: {  	s30 =	sld [smem:$0x0];
	_ =	sdelay $0x2  }
0xbf: {  	s31 =	sshll.u32 s1, $0xD;
	s1 =	sshrl.u32 s1, $0x2  }
0xc0: {  	s3 =	sand.u32 $0x4000, s31;
	s1 =	sadd.s32 s1, s30  }
0xc1: {  	s0 =	sor.u32 s3, s0;
	s1 =	sshll.u32 s1, $0x11  }
0xc2: {  	s0 =	sor.u32 s1, s0  }
0xc3: {  	s0 =	sadd.s32 $0x8F2B, s0  }
0xc4: {  	[sflag:s0] =	ssyncadd.remote.s32 $0x1  }
0xc5: {  	_ =	sfence.sel $0xFFFF  }
0xc6: {  	[dreg:$0x0] =	wrdreg $0xFFFFFFFF;
	(pc) =	sbr.abs _section_cstart, $3  }
0xc7: {  	[dreg:$0x1] =	wrdreg $0xFFFFFFFF  }
0xc8: {  	_ =	task.clear_ibuf [dreg:s11], $0x2FFFF;
	_ =	strace $0x9FFFFFFF  }
0xc9: {  	(tm) =	ssettm $0x7FFFFFFF  }
tec
execute0_lowered:
.L_overlay_start_1:
0x0: {  	(tag) =	ssettag $0x1  }
0x1: {  	s5 =	rddreg [dreg:$0x0]  }
0x2: {  	s3 =	rddreg [dreg:$0x1]  }
0x3: {  	s7 =	rddreg [dreg:$0x4]  }
0x4: {  	s0 =	srdreg.scid;
	s4 =	simm.s32 $0x0;
	s2 =	stileid.u32  }
0x5: {  	s20 =	simm.s32 $0x2080;
	s22 =	simm.s32 $0x6080;
	s0 =	sand.u32 $0x1, s0  }
0x6: {  	s2 =	sshll.u32 s2, $0x10;
	s1 =	ssub.s32 $0x2, s0;
	s0 =	sshll.u32 s0, $0xF  }
0x7: {  	s15 =	simm.s32 $0x3;
	[smem:$0x7FF] =	sst s4;
	s2 =	sor.u32 s0, s2  }
0x8: {  	_ =	strace $0x80000047;
	s30 =	sor.u32 $0x1000, s2;
	[dreg:$0x6] =	wrdreg s2  }
0x9: {  	s25 =	sshrl.u32 s2, $0x3;
	s31 =	sor.u32 $0x1800, s2;
	[dreg:$0xb] =	wrdreg s30  }
0xa: {  	s23 =	sshrl.u32 s1, $0x1;
	s26 =	sadd.s32 s5, s25;
	[dreg:$0xc] =	wrdreg s31  }
0xb: {  	v0 =	vlaneseq.u32;
	s24 =	ssub.s32 s1, s23;
	s28 =	sadd.s32 s3, s25;
	[dreg:$0x7] =	wrdreg s26  }
0xc: {  	v0 =	vmul.u32 $0x2, v0;
	s1 =	sor.u32 $0x100, s25;
	s0 =	smax.u32 s24, $0x1;
	[dreg:$0x8] =	wrdreg s28  }
0xd: {  	s4 =	simm.s32 $0x8080;
	s29 =	sadd.s32 s5, s1;
	[dreg:$0xd] =	wrdreg s0  }
0xe: {  	v1 =	vor.u32 $0x1, v0;
	v2 =	vor.u32 $0x1000, v0;
	v3 =	vor.u32 $0x1001, v0;
	s23 =	simm.s32 $0x4;
	s1 =	sadd.s32 s3, s1;
	[dreg:$0x9] =	wrdreg s29  }
0xf: {  	v4 =	vor.u32 $0x21, v0;
	v5 =	vor.u32 $0x41, v0;
	v6 =	vor.u32 $0x61, v0;
	s2 =	simm.s32 $0x0;
	s5 =	simm.s32 $0x4080;
	[dreg:$0xa] =	wrdreg s1  }
.LBB2_1:
0x10: {  	[dreg:$0xe] =	wrdreg s2  }
0x11: {  	s0 =	rddreg [dreg:$0x3];
	s1 =	simm.s32 $0x0;
	s18 =	simm.s32 $0x7  }
0x12: {  	[tilespmem:s1], [sflag:$0x7] =	stream.linear.gather [hbm4b:s0+s1], $0x80, $0x38;
	[tilespmem:$0xD080] =	vst v63  }
0x13: {  	_ =	swait.ge [sflag:s18], $0x80  }
0x14: {  	[sflag:s18] =	ssyncset.done $0x0  }
0x15: {  	[sflag:s18] =	ssyncadd.s32 $0xFFFFFF80  }
0x16: {  	v7 =	vld [tilespmem:$0x0]  }
0x17: {  	v8 =	vld [tilespmem:$0x10]  }
0x18: {  	s21 =	simm.s32 $0x80;
	s19 =	rddreg [dreg:$0x7];
	v9 =	vld [tilespmem:$0x20]  }
0x19: {  	v10 =	vld [tilespmem:$0x30];
	[tilespmem:s21], [sflag:$0x1] =	stream.linear.gather [hbm4b:s19+s1], $0x800, $0x38  }
0x1a: {  	s25 =	simm.s32 $0x1080;
	s26 =	simm.s32 $0x1;
	s24 =	rddreg [dreg:$0x8]  }
0x1b: {  	[tilespmem:s25], [sflag:$0x1] =	stream.linear.gather [hbm4b:s24+s1], $0x800, $0x38;
	[tilespmem:$0xD080] =	vst v63  }
0x1c: {  	_ =	swait.ge [sflag:s26], $0x800  }
0x1d: {  	[sflag:s26] =	ssyncset.done $0x0  }
0x1e: {  	[sflag:s26] =	ssyncadd.s32 $0xFFFFF800  }
0x1f: {  	_ =	swait.ge [sflag:s26], $0x800  }
0x20: {  	[sflag:s26] =	ssyncset.done $0x0  }
0x21: {  	s30 =	simm.s32 $0x10A0;
	[sflag:s26] =	ssyncadd.s32 $0xFFFFF800  }
0x22: {  	s6 =	simm.s32 $0xA0;
	v14 =	vld [tilespmem:s30+$0xFFFFFFF0]  }
0x23: {  	v15 =	vld [tilespmem:s6+$0x10]  }
0x24: {  	v16 =	vld [tilespmem:s30+$0xFFFFFFE0]  }
0x25: {  	v17 =	vld [tilespmem:s6+$0xFFFFFFE0]  }
0x26: {  	v18 =	vld [tilespmem:s30+$0x10]  }
0x27: {  	s31 =	simm.s32 $0x0;
	v19 =	vld [tilespmem:s6+$0xFFFFFFF0]  }
0x28: {  	s8 =	simm.s32 $0x60;
	v12 =	vor.u32 s31, v2;
	v11 =	vor.u32 s31, v3;
	v13 =	vor.u32 s31, v1;
	v22 =	vld [tilespmem:s6+$0x0]  }
0x29: {  	v21 =	vor.u32 s8, v0;
	v25 =	vor.u32 s8, v2;
	v23 =	vld [tilespmem:s30+$0x0];
	v16 =	vsub.f32 v16, v9  }
0x2a: {  	v26 =	vor.u32 s8, v3;
	v15 =	vsub.f32 v15, v7;
	v17 =	vsub.f32 v17, v7  }
0x2b: {  	v20 =	vsub.f32 v14, v9;
	v18 =	vsub.f32 v18, v9;
	v29 =	vmul.f32 v16, v10  }
0x2c: {  	v30 =	vmul.f32 v15, v8;
	v15 =	vsub.f32 v19, v7;
	v19 =	vmul.f32 v17, v8  }
0x2d: {  	v24 =	vmul.f32 v18, v10;
	v16 =	vsub.f32 v22, v7;
	v18 =	vmul.f32 v20, v10  }
0x2e: {  	s14 =	simm.s32 $0x40;
	v20 =	vsub.f32 v23, v9;
	v17 =	vtrunc.f32 v29;
	v22 =	vtrunc.f32 v30  }
0x2f: {  	v32 =	vor.u32 s14, v2;
	v27 =	vtrunc.f32 v19;
	v31 =	vtrunc.f32 v18  }
0x30: {  	v33 =	vor.u32 s14, v0;
	v34 =	vmul.f32 v16, v8;
	v16 =	vmul.f32 v20, v10  }
0x31: {  	v35 =	vor.u32 s14, v5;
	s25 =	simm.s32 $0x20;
	v15 =	vmul.f32 v15, v8;
	v17 =	vcvt.f32.s32 v17  }
0x32: {  	v28 =	vor.u32 s25, v0;
	v31 =	vcvt.f32.s32 v31;
	v20 =	vcvt.f32.s32 v22  }
0x33: {  	v14 =	vor.u32 s25, v4;
	v22 =	vtrunc.f32 v24;
	v27 =	vcvt.f32.s32 v27  }
0x34: {  	v23 =	vor.u32 s8, v6;
	v36 =	vtrunc.f32 v34;
	v22 =	vcvt.f32.s32 v22  }
0x35: {  	vm0 =	vgt.s32 v31, $0x0;
	v36 =	vcvt.f32.s32 v36;
	vm10 =	vgt.s32 v17, $0x0  }
0x36: {  	vm1 =	vgt.s32 v27, $0x0;
	vm13 =	vgt.s32 v20, $0x0;
	v31 =	vnsel vm0, $0x0, v31  }
0x37: {  	v38 =	vnsel vm10, $0x0, v17;
	v17 =	vtrunc.f32 v16;
	v31 =	vmin.u32 v31, $0xFFE  }
0x38: {  	v27 =	vnsel vm1, $0x0, v27;
	v57 =	vnsel vm13, $0x0, v20;
	v37 =	vcvt.s32.f32 v31  }
0x39: {  	vm14 =	vgt.s32 v22, $0x0;
	v55 =	vcvt.f32.s32 v17;
	v17 =	vmin.u32 v27, $0xFFE  }
0x3a: {  	v27 =	vtrunc.f32 v15;
	vm11 =	vgt.s32 v36, $0x0;
	v18 =	vsub.f32 v18, v37  }
0x3b: {  	v58 =	vmin.u32 v57, $0xFFE;
	v39 =	vcvt.s32.f32 v17;
	v40 =	vshll.u32 v17, $0xC  }
0x3c: {  	v56 =	vcvt.f32.s32 v27;
	v42 =	vshll.u32 v58, $0xC;
	v18 =	vmax.f32 v18, $0.0e+00  }
0x3d: {  	vm12 =	vgt.s32 v55, $0x0;
	v17 =	vmin.f32 v18, $1.000000000e+00;
	v18 =	vnsel vm11, $0x0, v36  }
0x3e: {  	v27 =	vnsel vm12, $0x0, v55;
	vm15 =	vgt.s32 v56, $0x0;
	v18 =	vmin.u32 v18, $0xFFE  }
0x3f: {  	v27 =	vmin.u32 v27, $0xFFE;
	v41 =	vcvt.s32.f32 v18;
	v18 =	vshll.u32 v18, $0xC  }
0x40: {  	v63 =	vnsel vm15, $0x0, v56;
	v20 =	vor.u32 v27, v18;
	v18 =	vnsel vm14, $0x0, v22  }
0x41: {  	v27 =	vcvt.s32.f32 v27;
	v22 =	vsub.f32 v34, v41;
	v18 =	vmin.u32 v18, $0xFFE  }
0x42: {  	v59 =	vadd.s32 $0x1, v20;
	v34 =	vcvt.s32.f32 v58;
	v61 =	vadd.s32 $0x1000, v20  }
0x43: {  	[tilespmem:v33+s20+$0x0] =	vst.idx.msk $0xffff, v20;
	v60 =	vcvt.s32.f32 v18;
	v42 =	vor.u32 v18, v42;
	v22 =	vmax.f32 v22, $0.0e+00  }
0x44: {  	[tilespmem:v21+s20+$0x0] =	vst.idx.msk $0xffff, v42;
	v21 =	vadd.s32 $0x1, v42;
	v30 =	vsub.f32 v30, v34;
	v62 =	vadd.s32 $0x1000, v42  }
0x45: {  	[tilespmem:v35+s20+$0x0] =	vst.idx.msk $0xffff, v59;
	v34 =	vmin.u32 v63, $0xFFE;
	v18 =	vmin.f32 v22, $1.000000000e+00;
	v22 =	vsub.f32 v24, v60  }
0x46: {  	v24 =	vor.u32 s31, v0;
	[tilespmem:v23+s20+$0x0] =	vst.idx.msk $0xffff, v21;
	v21 =	vmin.u32 v38, $0xFFE;
	v23 =	vadd.s32 $0x1001, v42  }
0x47: {  	[tilespmem:v25+s20+$0x0] =	vst.idx.msk $0xffff, v62;
	v25 =	vor.u32 v21, v40;
	v30 =	vmax.f32 v30, $0.0e+00;
	v22 =	vmax.f32 v22, $0.0e+00  }
0x48: {  	s28 =	simm.s32 $0xA0A0;
	s10 =	simm.s32 $0x0;
	s29 =	simm.s32 $0x10;
	[tilespmem:v26+s20+$0x0] =	vst.idx.msk $0xffff, v23;
	v26 =	vcvt.s32.f32 v21;
	v21 =	vmin.f32 v30, $1.000000000e+00;
	v23 =	vsub.f32 v19, v39  }
0x49: {  	s17 =	simm.s32 $0x0;
	s11 =	simm.s32 $0xA0E0;
	s12 =	simm.s32 $0xE0;
	[tilespmem:v32+s20+$0x0] =	vst.idx.msk $0xffff, v61;
	v30 =	vadd.s32 $0x1, v25;
	v19 =	vshll.u32 v34, $0xC;
	v22 =	vmin.f32 v22, $1.000000000e+00  }
0x4a: {  	s16 =	simm.s32 $0xE0;
	s9 =	simm.s32 $0x30;
	s18 =	simm.s32 $0x30;
	v32 =	vor.u32 v31, v19;
	v31 =	vadd.s32 $0x1000, v25;
	[tilespmem:s28+$0x10] =	vst v22;
	v26 =	vsub.f32 v29, v26  }
0x4b: {  	s19 =	simm.s32 $0x0;
	s24 =	simm.s32 $0x10E0;
	s26 =	simm.s32 $0x20;
	v22 =	vcvt.s32.f32 v34;
	[tilespmem:v28+s20+$0x0] =	vst.idx.msk $0xffff, v32;
	v29 =	vadd.s32 $0x1, v32;
	v28 =	vadd.s32 $0x1000, v32  }
.LBB2_2:
0x4c: {  	s1 =	sadd.s32 $0xFFFFFFA0, s12;
	v19 =	vld [tilespmem:s24+$0xFFFFFFF0];
	s10 =	sadd.s32 $0x4, s10;
	v23 =	vmax.f32 v23, $0.0e+00;
	v33 =	vadd.s32 $0x1001, v25;
	v32 =	vadd.s32 $0x1001, v32;
	s18 =	sadd.s32 $0x40, s18  }
0x4d: {  	v16 =	vsub.f32 v16, v27;
	v27 =	vor.u32 s14, v3;
	v34 =	vor.u32 s1, v2;
	s6 =	sadd.s32 $0xFFFFFFE0, s18;
	s30 =	sadd.s32 $0xFFFFFFF0, s18;
	v35 =	vld [tilespmem:s16+$0x10];
	p0 =	slt.u32 s10, $0x7C  }
0x4e: {  	s2 =	sadd.s32 $0xFFFFFFD0, s18;
	v37 =	vor.u32 s1, v3;
	v36 =	vld [tilespmem:s24+$0xFFFFFFE0]  }
0x4f: {  	v39 =	vor.u32 s25, v2;
	v40 =	vor.u32 s25, v3;
	v16 =	vmax.f32 v16, $0.0e+00;
	v38 =	vld [tilespmem:s16+$0xFFFFFFE0];
	[tilespmem:v24+s20+$0x0] =	vst.idx.msk $0xffff, v25  }
0x50: {  	v20 =	vadd.s32 $0x1001, v20;
	v16 =	vmin.f32 v16, $1.000000000e+00;
	v41 =	vld [tilespmem:s24+$0x10];
	[tilespmem:v13+s20+$0x0] =	vst.idx.msk $0xffff, v30;
	v13 =	vor.u32 s1, v1  }
0x51: {  	s25 =	sadd.s32 $0xFFFFFFC0, s12;
	v15 =	vsub.f32 v15, v22;
	v42 =	vmin.f32 v23, $1.000000000e+00;
	v24 =	vor.u32 s12, v0;
	v30 =	vld [tilespmem:s16+$0xFFFFFFF0];
	[tilespmem:v12+s20+$0x0] =	vst.idx.msk $0xffff, v31;
	v12 =	vmovc v34  }
0x52: {  	v22 =	vor.u32 s25, v4;
	v31 =	vsub.f32 v19, v9;
	v19 =	vor.u32 s25, v0;
	v34 =	vld [tilespmem:s16+$0x0];
	[tilespmem:v11+s20+$0x0] =	vst.idx.msk $0xffff, v33;
	v11 =	vmovc v37  }
0x53: {  	v23 =	vor.u32 s12, v3;
	v25 =	vor.u32 s12, v2;
	v33 =	vsub.f32 v36, v9;
	v36 =	vld [tilespmem:s24+$0x0];
	[tilespmem:v14+s20+$0x0] =	vst.idx.msk $0xffff, v29;
	v14 =	vmovc v22  }
0x54: {  	v15 =	vmax.f32 v15, $0.0e+00;
	v35 =	vsub.f32 v35, v7;
	v29 =	vsub.f32 v38, v7;
	[tilespmem:v27+s20+$0x0] =	vst.idx.msk $0xffff, v20  }
0x55: {  	v26 =	vmax.f32 v26, $0.0e+00;
	v22 =	vmul.f32 v33, v10;
	v20 =	vsub.f32 v41, v9;
	[tilespmem:v39+s20+$0x0] =	vst.idx.msk $0xffff, v28  }
0x56: {  	v28 =	vmul.f32 v35, v8;
	v27 =	vsub.f32 v30, v7;
	v30 =	vmin.f32 v26, $1.000000000e+00;
	[tilespmem:v40+s20+$0x0] =	vst.idx.msk $0xffff, v32  }
0x57: {  	v26 =	vmul.f32 v29, v8;
	v29 =	vsub.f32 v34, v7;
	v32 =	vmul.f32 v20, v10;
	[tilespmem:s28+$0xFFFFFFE0] =	vst v30  }
0x58: {  	s8 =	sand.u32 $0x7F0, s9;
	s9 =	smov.u32 s18;
	v20 =	vtrunc.f32 v22;
	v30 =	vmul.f32 v31, v10;
	v31 =	vsub.f32 v36, v9;
	[tilespmem:s28+$0xFFFFFFF0] =	vst v17  }
0x59: {  	s14 =	sadd.s32 $0xFFFFFFE0, s12;
	s13 =	sand.u32 $0x7D0, s29;
	s29 =	smov.u32 s6;
	v15 =	vmin.f32 v15, $1.000000000e+00;
	v33 =	vor.u32 s12, v6;
	v17 =	vtrunc.f32 v28;
	[tilespmem:s8+$0xA880] =	vst v21  }
0x5a: {  	v35 =	vor.u32 s14, v2;
	v21 =	vtrunc.f32 v26;
	v34 =	vtrunc.f32 v30;
	[tilespmem:s13+$0xA880] =	vst v15  }
0x5b: {  	s6 =	sand.u32 $0x7C0, s17;
	v20 =	vcvt.f32.s32 v20;
	v36 =	vor.u32 s14, v0;
	s8 =	sand.u32 $0x7E0, s26;
	s26 =	smov.u32 s30;
	v34 =	vcvt.f32.s32 v34;
	[tilespmem:s28+$0x0] =	vst v16  }
0x5c: {  	s17 =	smov.u32 s2;
	v29 =	vmul.f32 v29, v8;
	v16 =	vmul.f32 v31, v10;
	v31 =	vor.u32 s14, v5;
	s28 =	smov.u32 s11;
	[tilespmem:s8+$0xA880] =	vst v18  }
0x5d: {  	vm0 =	vgt.s32 v34, $0x0;
	v18 =	vcvt.f32.s32 v17;
	v17 =	vtrunc.f32 v32;
	[tilespmem:s6+$0xA880] =	vst v42  }
0x5e: {  	v15 =	vmul.f32 v27, v8;
	v27 =	vnsel vm0, $0x0, v34;
	v34 =	vtrunc.f32 v29  }
0x5f: {  	v21 =	vcvt.f32.s32 v21;
	v37 =	vmin.u32 v27, $0xFFE;
	v27 =	vcvt.f32.s32 v34  }
0x60: {  	vm0 =	vgt.s32 v20, $0x0;
	v38 =	vcvt.f32.s32 v17;
	v34 =	vcvt.s32.f32 v37  }
0x61: {  	vm1 =	vgt.s32 v21, $0x0;
	v17 =	vtrunc.f32 v16;
	v39 =	vnsel vm0, $0x0, v20  }
0x62: {  	v20 =	vnsel vm1, $0x0, v21;
	v21 =	vsub.f32 v30, v34;
	v30 =	vcvt.f32.s32 v17  }
0x63: {  	vm0 =	vgt.s32 v27, $0x0;
	v17 =	vmin.u32 v20, $0xFFE;
	v20 =	vtrunc.f32 v15  }
0x64: {  	v34 =	vcvt.s32.f32 v17;
	v21 =	vmax.f32 v21, $0.0e+00;
	vm1 =	vgt.s32 v30, $0x0  }
0x65: {  	v40 =	vshll.u32 v17, $0xC;
	v17 =	vmin.f32 v21, $1.000000000e+00;
	v21 =	vnsel vm0, $0x0, v27  }
0x66: {  	v41 =	vcvt.f32.s32 v20;
	vm0 =	vgt.s32 v18, $0x0;
	v20 =	vmin.u32 v21, $0xFFE  }
0x67: {  	v21 =	vnsel vm1, $0x0, v30;
	v18 =	vnsel vm0, $0x0, v18;
	vm1 =	vgt.s32 v38, $0x0  }
0x68: {  	v21 =	vmin.u32 v21, $0xFFE;
	v27 =	vcvt.s32.f32 v20;
	v20 =	vshll.u32 v20, $0xC  }
0x69: {  	vm0 =	vgt.s32 v41, $0x0;
	v30 =	vnsel vm1, $0x0, v38;
	v20 =	vor.u32 v21, v20  }
0x6a: {  	v18 =	vmin.u32 v18, $0xFFE;
	v27 =	vsub.f32 v29, v27;
	v29 =	vmin.u32 v30, $0xFFE  }
0x6b: {  	v42 =	vshll.u32 v18, $0xC;
	v30 =	vadd.s32 $0x1, v20;
	v38 =	vcvt.s32.f32 v29  }
0x6c: {  	v29 =	vor.u32 v29, v42;
	v27 =	vmax.f32 v27, $0.0e+00;
	[tilespmem:v36+s20+$0x0] =	vst.idx.msk $0xffff, v20;
	v36 =	vcvt.s32.f32 v18  }
0x6d: {  	v18 =	vmin.f32 v27, $1.000000000e+00;
	v27 =	vcvt.s32.f32 v21;
	v21 =	vsub.f32 v32, v38;
	[tilespmem:v24+s20+$0x0] =	vst.idx.msk $0xffff, v29  }
0x6e: {  	v24 =	vor.u32 s1, v0;
	[tilespmem:v31+s20+$0x0] =	vst.idx.msk $0xffff, v30;
	v31 =	vadd.s32 $0x1000, v20;
	v30 =	vadd.s32 $0x1, v29  }
0x6f: {  	v28 =	vsub.f32 v28, v36;
	v21 =	vmax.f32 v21, $0.0e+00;
	[tilespmem:v33+s20+$0x0] =	vst.idx.msk $0xffff, v30;
	v30 =	vadd.s32 $0x1000, v29  }
0x70: {  	v32 =	vmin.u32 v39, $0xFFE;
	v33 =	vmin.f32 v21, $1.000000000e+00;
	v21 =	vadd.s32 $0x1001, v29;
	[tilespmem:v25+s20+$0x0] =	vst.idx.msk $0xffff, v30  }
.Ltmp0:
0x71: {  	v29 =	vnsel vm0, $0x0, v41;
	v25 =	vor.u32 v32, v40;
	v28 =	vmax.f32 v28, $0.0e+00;
	[tilespmem:v23+s20+$0x0] =	vst.idx.msk $0xffff, v21;
	(pc) =	sbr.rel @p0 .LBB2_2-.Ltmp0, $4  }
0x72: {  	v32 =	vcvt.s32.f32 v32;
	v29 =	vmin.u32 v29, $0xFFE;
	v21 =	vmin.f32 v28, $1.000000000e+00;
	[tilespmem:s11+$0x10] =	vst v33  }
0x73: {  	v23 =	vsub.f32 v26, v34;
	v30 =	vadd.s32 $0x1, v25;
	v28 =	vshll.u32 v29, $0xC;
	[tilespmem:v35+s20+$0x0] =	vst.idx.msk $0xffff, v31  }
0x74: {  	v26 =	vsub.f32 v22, v32;
	v22 =	vcvt.s32.f32 v29;
	v32 =	vor.u32 v37, v28;
	s11 =	sadd.s32 $0x40, s11  }
0x75: {  	s16 =	sadd.s32 $0x40, s16;
	s24 =	sadd.s32 $0x40, s24;
	s12 =	sadd.s32 $0x80, s12;
	v31 =	vadd.s32 $0x1000, v25;
	v29 =	vadd.s32 $0x1, v32;
	v28 =	vadd.s32 $0x1000, v32;
	[tilespmem:v19+s20+$0x0] =	vst.idx.msk $0xffff, v32  }
0x76: {  	_ =	sdelay $0x3  }
0x77: {  	[tilespmem:v24+s20+$0x0] =	vst.idx.msk $0xffff, v25  }
0x78: {  	v19 =	vor.u32 s14, v3;
	[tilespmem:v14+s20+$0x0] =	vst.idx.msk $0xffff, v29  }
0x79: {  	v57 =	vor.u32 s25, v2;
	s1 =	sand.u32 $0x7F0, s9;
	[tilespmem:v13+s20+$0x0] =	vst.idx.msk $0xffff, v30  }
0x7a: {  	v59 =	vor.u32 s25, v3;
	[tilespmem:s1+$0xA880] =	vst v21  }
0x7b: {  	v58 =	vadd.s32 $0x1001, v25;
	[tilespmem:v12+s20+$0x0] =	vst.idx.msk $0xffff, v31  }
0x7c: {  	[tilespmem:v11+s20+$0x0] =	vst.idx.msk $0xffff, v58;
	v11 =	vadd.s32 $0x1001, v20  }
0x7d: {  	[tilespmem:v19+s20+$0x0] =	vst.idx.msk $0xffff, v11  }
0x7e: {  	v60 =	vmax.f32 v26, $0.0e+00;
	v61 =	vsub.f32 v15, v22;
	v11 =	vadd.s32 $0x1001, v32;
	[tilespmem:v57+s20+$0x0] =	vst.idx.msk $0xffff, v28  }
0x7f: {  	v12 =	vmin.f32 v60, $1.000000000e+00;
	[tilespmem:v59+s20+$0x0] =	vst.idx.msk $0xffff, v11;
	v11 =	vsub.f32 v16, v27  }
0x80: {  	v62 =	vmax.f32 v61, $0.0e+00;
	[tilespmem:s28+$0xFFFFFFE0] =	vst v12  }
0x81: {  	s2 =	sand.u32 $0x7D0, s29;
	v12 =	vmin.f32 v62, $1.000000000e+00;
	[tilespmem:s28+$0xFFFFFFF0] =	vst v17;
	v11 =	vmax.f32 v11, $0.0e+00  }
0x82: {  	[tilespmem:s2+$0xA880] =	vst v12;
	v11 =	vmin.f32 v11, $1.000000000e+00  }
0x83: {  	v63 =	vmax.f32 v23, $0.0e+00;
	s14 =	sand.u32 $0x7E0, s26;
	[tilespmem:s28+$0x0] =	vst v11  }
0x84: {  	s16 =	sand.u32 $0x7C0, s17;
	v11 =	vmin.f32 v63, $1.000000000e+00;
	[tilespmem:s14+$0xA880] =	vst v18  }
0x85: {  	s0 =	rddreg [dreg:$0x2];
	s17 =	simm.s32 $0x800;
	[tilespmem:s16+$0xA880] =	vst v11  }
0x86: {  	[tilespmem:s22], [sflag:$0x3] =	stream.indirect.gather [hbm4b:s0+s17], $0x1, s20, s17, $0xb8;
	[tilespmem:$0xD080] =	vst v63  }
0x87: {  	s18 =	simm.s32 $0x2880;
	s6 =	simm.s32 $0x6880  }
0x88: {  	[tilespmem:s6], [sflag:$0x3] =	stream.indirect.gather [hbm4b:s0+s17], $0x1, s18, s17, $0xb8;
	[tilespmem:$0xD080] =	vst v63  }
0x89: {  	s21 =	simm.s32 $0x3080;
	s24 =	simm.s32 $0x7080  }
0x8a: {  	[tilespmem:s24], [sflag:$0x3] =	stream.indirect.gather [hbm4b:s0+s17], $0x1, s21, s17, $0xb8;
	[tilespmem:$0xD080] =	vst v63  }
0x8b: {  	s25 =	simm.s32 $0x3880;
	s26 =	simm.s32 $0x7880  }
0x8c: {  	[tilespmem:s26], [sflag:$0x3] =	stream.indirect.gather [hbm4b:s0+s17], $0x1, s25, s17, $0xb8;
	[tilespmem:$0xD080] =	vst v63  }
0x8d: {  	s29 =	simm.s32 $0x880;
	s28 =	rddreg [dreg:$0x9];
	s25 =	simm.s32 $0x0  }
0x8e: {  	[tilespmem:s29], [sflag:$0x2] =	stream.linear.gather [hbm4b:s28+s25], $0x800, $0x38;
	[tilespmem:$0xD080] =	vst v63  }
0x8f: {  	s31 =	simm.s32 $0x1880;
	s30 =	rddreg [dreg:$0xa]  }
0x90: {  	[tilespmem:s31], [sflag:$0x2] =	stream.linear.gather [hbm4b:s30+s25], $0x800, $0x38;
	[tilespmem:$0xD080] =	vst v63  }
.LBB2_4:
0x91: {  	s0 =	simm.s32 $0x2  }
0x92: {  	_ =	swait.ge [sflag:s0], $0x800  }
0x93: {  	[sflag:s0] =	ssyncset.done $0x0  }
0x94: {  	[sflag:s0] =	ssyncadd.s32 $0xFFFFF800  }
0x95: {  	_ =	swait.ge [sflag:s0], $0x800  }
0x96: {  	[sflag:s0] =	ssyncset.done $0x0  }
0x97: {  	s2 =	simm.s32 $0x18A0;
	[sflag:s0] =	ssyncadd.s32 $0xFFFFF800  }
0x98: {  	s6 =	simm.s32 $0x8A0;
	v14 =	vld [tilespmem:s2+$0xFFFFFFF0]  }
0x99: {  	v15 =	vld [tilespmem:s6+$0x10]  }
0x9a: {  	v16 =	vld [tilespmem:s2+$0xFFFFFFE0]  }
0x9b: {  	v17 =	vld [tilespmem:s6+$0xFFFFFFE0]  }
0x9c: {  	v18 =	vld [tilespmem:s2+$0x10]  }
0x9d: {  	s1 =	simm.s32 $0x0;
	v19 =	vld [tilespmem:s6+$0xFFFFFFF0]  }
0x9e: {  	s8 =	simm.s32 $0x60;
	s26 =	simm.s32 $0x20;
	v12 =	vor.u32 s1, v2;
	v11 =	vor.u32 s1, v3;
	v13 =	vor.u32 s1, v1;
	v22 =	vld [tilespmem:s6+$0x0]  }
0x9f: {  	v21 =	vor.u32 s8, v0;
	v28 =	vor.u32 s26, v0;
	v23 =	vld [tilespmem:s2+$0x0];
	v16 =	vsub.f32 v16, v9  }
0xa0: {  	v25 =	vor.u32 s8, v2;
	v15 =	vsub.f32 v15, v7;
	v17 =	vsub.f32 v17, v7  }
0xa1: {  	v20 =	vsub.f32 v14, v9;
	v18 =	vsub.f32 v18, v9;
	v29 =	vmul.f32 v16, v10  }
0xa2: {  	v30 =	vmul.f32 v15, v8;
	v15 =	vsub.f32 v19, v7;
	v19 =	vmul.f32 v17, v8  }
0xa3: {  	v24 =	vmul.f32 v18, v10;
	v16 =	vsub.f32 v22, v7;
	v18 =	vmul.f32 v20, v10  }
0xa4: {  	v20 =	vsub.f32 v23, v9;
	v17 =	vtrunc.f32 v29;
	v22 =	vtrunc.f32 v30  }
0xa5: {  	s14 =	simm.s32 $0x40;
	v26 =	vor.u32 s8, v3;
	v27 =	vtrunc.f32 v19;
	v31 =	vtrunc.f32 v18  }
0xa6: {  	v32 =	vor.u32 s14, v2;
	v34 =	vmul.f32 v16, v8;
	v16 =	vmul.f32 v20, v10  }
0xa7: {  	v33 =	vor.u32 s14, v0;
	v15 =	vmul.f32 v15, v8;
	v17 =	vcvt.f32.s32 v17  }
0xa8: {  	v35 =	vor.u32 s14, v5;
	v31 =	vcvt.f32.s32 v31;
	v20 =	vcvt.f32.s32 v22  }
0xa9: {  	v14 =	vor.u32 s26, v4;
	v22 =	vtrunc.f32 v24;
	v27 =	vcvt.f32.s32 v27  }
0xaa: {  	v23 =	vor.u32 s8, v6;
	v36 =	vtrunc.f32 v34;
	v22 =	vcvt.f32.s32 v22  }
0xab: {  	vm0 =	vgt.s32 v31, $0x0;
	v36 =	vcvt.f32.s32 v36;
	vm10 =	vgt.s32 v17, $0x0  }
0xac: {  	vm1 =	vgt.s32 v27, $0x0;
	vm13 =	vgt.s32 v20, $0x0;
	v31 =	vnsel vm0, $0x0, v31  }
0xad: {  	v38 =	vnsel vm10, $0x0, v17;
	v17 =	vtrunc.f32 v16;
	v31 =	vmin.u32 v31, $0xFFE  }
0xae: {  	v27 =	vnsel vm1, $0x0, v27;
	v57 =	vnsel vm13, $0x0, v20;
	v37 =	vcvt.s32.f32 v31  }
0xaf: {  	vm14 =	vgt.s32 v22, $0x0;
	v55 =	vcvt.f32.s32 v17;
	v17 =	vmin.u32 v27, $0xFFE  }
0xb0: {  	v27 =	vtrunc.f32 v15;
	vm11 =	vgt.s32 v36, $0x0;
	v18 =	vsub.f32 v18, v37  }
0xb1: {  	v58 =	vmin.u32 v57, $0xFFE;
	v39 =	vcvt.s32.f32 v17;
	v40 =	vshll.u32 v17, $0xC  }
0xb2: {  	v56 =	vcvt.f32.s32 v27;
	v42 =	vshll.u32 v58, $0xC;
	v18 =	vmax.f32 v18, $0.0e+00  }
0xb3: {  	vm12 =	vgt.s32 v55, $0x0;
	v17 =	vmin.f32 v18, $1.000000000e+00;
	v18 =	vnsel vm11, $0x0, v36  }
0xb4: {  	v27 =	vnsel vm12, $0x0, v55;
	vm15 =	vgt.s32 v56, $0x0;
	v18 =	vmin.u32 v18, $0xFFE  }
0xb5: {  	v27 =	vmin.u32 v27, $0xFFE;
	v41 =	vcvt.s32.f32 v18;
	v18 =	vshll.u32 v18, $0xC  }
0xb6: {  	v63 =	vnsel vm15, $0x0, v56;
	v20 =	vor.u32 v27, v18;
	v18 =	vnsel vm14, $0x0, v22  }
0xb7: {  	v27 =	vcvt.s32.f32 v27;
	v22 =	vsub.f32 v34, v41;
	v18 =	vmin.u32 v18, $0xFFE  }
0xb8: {  	v59 =	vadd.s32 $0x1, v20;
	v34 =	vcvt.s32.f32 v58;
	v61 =	vadd.s32 $0x1000, v20  }
0xb9: {  	[tilespmem:v33+s5+$0x0] =	vst.idx.msk $0xffff, v20;
	v60 =	vcvt.s32.f32 v18;
	v42 =	vor.u32 v18, v42;
	v22 =	vmax.f32 v22, $0.0e+00  }
0xba: {  	[tilespmem:v21+s5+$0x0] =	vst.idx.msk $0xffff, v42;
	v21 =	vadd.s32 $0x1, v42;
	v30 =	vsub.f32 v30, v34;
	v62 =	vadd.s32 $0x1000, v42  }
0xbb: {  	[tilespmem:v35+s5+$0x0] =	vst.idx.msk $0xffff, v59;
	v34 =	vmin.u32 v63, $0xFFE;
	v18 =	vmin.f32 v22, $1.000000000e+00;
	v22 =	vsub.f32 v24, v60  }
0xbc: {  	v24 =	vor.u32 s1, v0;
	[tilespmem:v23+s5+$0x0] =	vst.idx.msk $0xffff, v21;
	v21 =	vmin.u32 v38, $0xFFE;
	v23 =	vadd.s32 $0x1001, v42  }
0xbd: {  	[tilespmem:v25+s5+$0x0] =	vst.idx.msk $0xffff, v62;
	v25 =	vor.u32 v21, v40;
	v30 =	vmax.f32 v30, $0.0e+00;
	v22 =	vmax.f32 v22, $0.0e+00  }
0xbe: {  	s18 =	simm.s32 $0x30;
	s29 =	simm.s32 $0xB0A0;
	[tilespmem:v26+s5+$0x0] =	vst.idx.msk $0xffff, v23;
	v26 =	vcvt.s32.f32 v21;
	v21 =	vmin.f32 v30, $1.000000000e+00;
	v23 =	vsub.f32 v19, v39  }
0xbf: {  	s10 =	simm.s32 $0x0;
	s30 =	simm.s32 $0x10;
	s28 =	simm.s32 $0x20;
	[tilespmem:v32+s5+$0x0] =	vst.idx.msk $0xffff, v61;
	v30 =	vadd.s32 $0x1, v25;
	v19 =	vshll.u32 v34, $0xC;
	v22 =	vmin.f32 v22, $1.000000000e+00  }
0xc0: {  	s17 =	simm.s32 $0x0;
	s11 =	simm.s32 $0xB0E0;
	s12 =	simm.s32 $0xE0;
	v32 =	vor.u32 v31, v19;
	v31 =	vadd.s32 $0x1000, v25;
	[tilespmem:s29+$0x10] =	vst v22;
	v26 =	vsub.f32 v29, v26  }
0xc1: {  	s16 =	simm.s32 $0x8E0;
	s24 =	simm.s32 $0x18E0;
	s9 =	simm.s32 $0x30;
	v22 =	vcvt.s32.f32 v34;
	[tilespmem:v28+s5+$0x0] =	vst.idx.msk $0xffff, v32;
	v29 =	vadd.s32 $0x1, v32;
	v28 =	vadd.s32 $0x1000, v32  }
.LBB2_5:
0xc2: {  	s1 =	sadd.s32 $0xFFFFFFA0, s12;
	v19 =	vld [tilespmem:s24+$0xFFFFFFF0];
	s10 =	sadd.s32 $0x4, s10;
	v23 =	vmax.f32 v23, $0.0e+00;
	v33 =	vadd.s32 $0x1001, v25;
	v32 =	vadd.s32 $0x1001, v32;
	s18 =	sadd.s32 $0x40, s18  }
0xc3: {  	v16 =	vsub.f32 v16, v27;
	v27 =	vor.u32 s14, v3;
	v34 =	vor.u32 s1, v2;
	s6 =	sadd.s32 $0xFFFFFFE0, s18;
	s31 =	sadd.s32 $0xFFFFFFF0, s18;
	v35 =	vld [tilespmem:s16+$0x10];
	p0 =	slt.u32 s10, $0x7C  }
0xc4: {  	s2 =	sadd.s32 $0xFFFFFFD0, s18;
	v37 =	vor.u32 s1, v3;
	v36 =	vld [tilespmem:s24+$0xFFFFFFE0]  }
0xc5: {  	v39 =	vor.u32 s26, v2;
	v40 =	vor.u32 s26, v3;
	v16 =	vmax.f32 v16, $0.0e+00;
	v38 =	vld [tilespmem:s16+$0xFFFFFFE0];
	[tilespmem:v24+s5+$0x0] =	vst.idx.msk $0xffff, v25  }
0xc6: {  	v20 =	vadd.s32 $0x1001, v20;
	v16 =	vmin.f32 v16, $1.000000000e+00;
	v41 =	vld [tilespmem:s24+$0x10];
	[tilespmem:v13+s5+$0x0] =	vst.idx.msk $0xffff, v30;
	v13 =	vor.u32 s1, v1  }
0xc7: {  	s26 =	sadd.s32 $0xFFFFFFC0, s12;
	v15 =	vsub.f32 v15, v22;
	v42 =	vmin.f32 v23, $1.000000000e+00;
	v24 =	vor.u32 s12, v0;
	v30 =	vld [tilespmem:s16+$0xFFFFFFF0];
	[tilespmem:v12+s5+$0x0] =	vst.idx.msk $0xffff, v31;
	v12 =	vmovc v34  }
0xc8: {  	v22 =	vor.u32 s26, v4;
	v31 =	vsub.f32 v19, v9;
	v19 =	vor.u32 s26, v0;
	v34 =	vld [tilespmem:s16+$0x0];
	[tilespmem:v11+s5+$0x0] =	vst.idx.msk $0xffff, v33;
	v11 =	vmovc v37  }
0xc9: {  	v23 =	vor.u32 s12, v3;
	v25 =	vor.u32 s12, v2;
	v33 =	vsub.f32 v36, v9;
	v36 =	vld [tilespmem:s24+$0x0];
	[tilespmem:v14+s5+$0x0] =	vst.idx.msk $0xffff, v29;
	v14 =	vmovc v22  }
0xca: {  	v15 =	vmax.f32 v15, $0.0e+00;
	v35 =	vsub.f32 v35, v7;
	v29 =	vsub.f32 v38, v7;
	[tilespmem:v27+s5+$0x0] =	vst.idx.msk $0xffff, v20  }
0xcb: {  	v26 =	vmax.f32 v26, $0.0e+00;
	v22 =	vmul.f32 v33, v10;
	v20 =	vsub.f32 v41, v9;
	[tilespmem:v39+s5+$0x0] =	vst.idx.msk $0xffff, v28  }
0xcc: {  	v28 =	vmul.f32 v35, v8;
	v27 =	vsub.f32 v30, v7;
	v30 =	vmin.f32 v26, $1.000000000e+00;
	[tilespmem:v40+s5+$0x0] =	vst.idx.msk $0xffff, v32  }
0xcd: {  	v26 =	vmul.f32 v29, v8;
	v29 =	vsub.f32 v34, v7;
	v32 =	vmul.f32 v20, v10;
	[tilespmem:s29+$0xFFFFFFE0] =	vst v30  }
0xce: {  	s8 =	sand.u32 $0x7F0, s9;
	s9 =	smov.u32 s18;
	v20 =	vtrunc.f32 v22;
	v30 =	vmul.f32 v31, v10;
	v31 =	vsub.f32 v36, v9;
	[tilespmem:s29+$0xFFFFFFF0] =	vst v17  }
0xcf: {  	s14 =	sadd.s32 $0xFFFFFFE0, s12;
	s13 =	sand.u32 $0x7D0, s30;
	s30 =	smov.u32 s6;
	v15 =	vmin.f32 v15, $1.000000000e+00;
	v33 =	vor.u32 s12, v6;
	v17 =	vtrunc.f32 v28;
	[tilespmem:s8+$0xB880] =	vst v21  }
0xd0: {  	v35 =	vor.u32 s14, v2;
	v21 =	vtrunc.f32 v26;
	v34 =	vtrunc.f32 v30;
	[tilespmem:s13+$0xB880] =	vst v15  }
0xd1: {  	s6 =	sand.u32 $0x7C0, s17;
	v20 =	vcvt.f32.s32 v20;
	v36 =	vor.u32 s14, v0;
	s8 =	sand.u32 $0x7E0, s28;
	s28 =	smov.u32 s31;
	v34 =	vcvt.f32.s32 v34;
	[tilespmem:s29+$0x0] =	vst v16  }
0xd2: {  	s17 =	smov.u32 s2;
	v29 =	vmul.f32 v29, v8;
	v16 =	vmul.f32 v31, v10;
	v31 =	vor.u32 s14, v5;
	s29 =	smov.u32 s11;
	[tilespmem:s8+$0xB880] =	vst v18  }
0xd3: {  	vm0 =	vgt.s32 v34, $0x0;
	v18 =	vcvt.f32.s32 v17;
	v17 =	vtrunc.f32 v32;
	[tilespmem:s6+$0xB880] =	vst v42  }
0xd4: {  	v15 =	vmul.f32 v27, v8;
	v27 =	vnsel vm0, $0x0, v34;
	v34 =	vtrunc.f32 v29  }
0xd5: {  	v21 =	vcvt.f32.s32 v21;
	v37 =	vmin.u32 v27, $0xFFE;
	v27 =	vcvt.f32.s32 v34  }
0xd6: {  	vm0 =	vgt.s32 v20, $0x0;
	v38 =	vcvt.f32.s32 v17;
	v34 =	vcvt.s32.f32 v37  }
0xd7: {  	vm1 =	vgt.s32 v21, $0x0;
	v17 =	vtrunc.f32 v16;
	v39 =	vnsel vm0, $0x0, v20  }
0xd8: {  	v20 =	vnsel vm1, $0x0, v21;
	v21 =	vsub.f32 v30, v34;
	v30 =	vcvt.f32.s32 v17  }
0xd9: {  	vm0 =	vgt.s32 v27, $0x0;
	v17 =	vmin.u32 v20, $0xFFE;
	v20 =	vtrunc.f32 v15  }
0xda: {  	v34 =	vcvt.s32.f32 v17;
	v21 =	vmax.f32 v21, $0.0e+00;
	vm1 =	vgt.s32 v30, $0x0  }
0xdb: {  	v40 =	vshll.u32 v17, $0xC;
	v17 =	vmin.f32 v21, $1.000000000e+00;
	v21 =	vnsel vm0, $0x0, v27  }
0xdc: {  	v41 =	vcvt.f32.s32 v20;
	vm0 =	vgt.s32 v18, $0x0;
	v20 =	vmin.u32 v21, $0xFFE  }
0xdd: {  	v21 =	vnsel vm1, $0x0, v30;
	v18 =	vnsel vm0, $0x0, v18;
	vm1 =	vgt.s32 v38, $0x0  }
0xde: {  	v21 =	vmin.u32 v21, $0xFFE;
	v27 =	vcvt.s32.f32 v20;
	v20 =	vshll.u32 v20, $0xC  }
0xdf: {  	vm0 =	vgt.s32 v41, $0x0;
	v30 =	vnsel vm1, $0x0, v38;
	v20 =	vor.u32 v21, v20  }
0xe0: {  	v18 =	vmin.u32 v18, $0xFFE;
	v27 =	vsub.f32 v29, v27;
	v29 =	vmin.u32 v30, $0xFFE  }
0xe1: {  	v42 =	vshll.u32 v18, $0xC;
	v30 =	vadd.s32 $0x1, v20;
	v38 =	vcvt.s32.f32 v29  }
0xe2: {  	v29 =	vor.u32 v29, v42;
	v27 =	vmax.f32 v27, $0.0e+00;
	[tilespmem:v36+s5+$0x0] =	vst.idx.msk $0xffff, v20;
	v36 =	vcvt.s32.f32 v18  }
0xe3: {  	v18 =	vmin.f32 v27, $1.000000000e+00;
	v27 =	vcvt.s32.f32 v21;
	v21 =	vsub.f32 v32, v38;
	[tilespmem:v24+s5+$0x0] =	vst.idx.msk $0xffff, v29  }
0xe4: {  	v24 =	vor.u32 s1, v0;
	[tilespmem:v31+s5+$0x0] =	vst.idx.msk $0xffff, v30;
	v31 =	vadd.s32 $0x1000, v20;
	v30 =	vadd.s32 $0x1, v29  }
0xe5: {  	v28 =	vsub.f32 v28, v36;
	v21 =	vmax.f32 v21, $0.0e+00;
	[tilespmem:v33+s5+$0x0] =	vst.idx.msk $0xffff, v30;
	v30 =	vadd.s32 $0x1000, v29  }
0xe6: {  	v32 =	vmin.u32 v39, $0xFFE;
	v33 =	vmin.f32 v21, $1.000000000e+00;
	v21 =	vadd.s32 $0x1001, v29;
	[tilespmem:v25+s5+$0x0] =	vst.idx.msk $0xffff, v30  }
.Ltmp1:
0xe7: {  	v29 =	vnsel vm0, $0x0, v41;
	v25 =	vor.u32 v32, v40;
	v28 =	vmax.f32 v28, $0.0e+00;
	[tilespmem:v23+s5+$0x0] =	vst.idx.msk $0xffff, v21;
	(pc) =	sbr.rel @p0 .LBB2_5-.Ltmp1, $4  }
0xe8: {  	v32 =	vcvt.s32.f32 v32;
	v29 =	vmin.u32 v29, $0xFFE;
	v21 =	vmin.f32 v28, $1.000000000e+00;
	[tilespmem:s11+$0x10] =	vst v33  }
0xe9: {  	v23 =	vsub.f32 v26, v34;
	v30 =	vadd.s32 $0x1, v25;
	v28 =	vshll.u32 v29, $0xC;
	[tilespmem:v35+s5+$0x0] =	vst.idx.msk $0xffff, v31  }
0xea: {  	v26 =	vsub.f32 v22, v32;
	v22 =	vcvt.s32.f32 v29;
	v32 =	vor.u32 v37, v28;
	s11 =	sadd.s32 $0x40, s11  }
0xeb: {  	s16 =	sadd.s32 $0x40, s16;
	s24 =	sadd.s32 $0x40, s24;
	s12 =	sadd.s32 $0x80, s12;
	v31 =	vadd.s32 $0x1000, v25;
	v29 =	vadd.s32 $0x1, v32;
	v28 =	vadd.s32 $0x1000, v32;
	[tilespmem:v19+s5+$0x0] =	vst.idx.msk $0xffff, v32  }
0xec: {  	_ =	sdelay $0x3  }
0xed: {  	[tilespmem:v24+s5+$0x0] =	vst.idx.msk $0xffff, v25  }
0xee: {  	v19 =	vor.u32 s14, v3;
	[tilespmem:v14+s5+$0x0] =	vst.idx.msk $0xffff, v29  }
0xef: {  	v24 =	vor.u32 s26, v2;
	s1 =	sand.u32 $0x7F0, s9;
	[tilespmem:v13+s5+$0x0] =	vst.idx.msk $0xffff, v30  }
0xf0: {  	v13 =	vadd.s32 $0x1001, v25;
	v25 =	vor.u32 s26, v3;
	[tilespmem:s1+$0xB880] =	vst v21  }
0xf1: {  	[tilespmem:v12+s5+$0x0] =	vst.idx.msk $0xffff, v31  }
0xf2: {  	[tilespmem:v11+s5+$0x0] =	vst.idx.msk $0xffff, v13;
	v11 =	vadd.s32 $0x1001, v20  }
0xf3: {  	[tilespmem:v19+s5+$0x0] =	vst.idx.msk $0xffff, v11  }
0xf4: {  	v12 =	vmax.f32 v26, $0.0e+00;
	v13 =	vsub.f32 v15, v22;
	v11 =	vadd.s32 $0x1001, v32;
	[tilespmem:v24+s5+$0x0] =	vst.idx.msk $0xffff, v28  }
0xf5: {  	v12 =	vmin.f32 v12, $1.000000000e+00;
	[tilespmem:v25+s5+$0x0] =	vst.idx.msk $0xffff, v11;
	v11 =	vsub.f32 v16, v27  }
0xf6: {  	[tilespmem:s29+$0xFFFFFFE0] =	vst v12;
	v12 =	vmax.f32 v13, $0.0e+00  }
0xf7: {  	s2 =	sand.u32 $0x7D0, s30;
	v12 =	vmin.f32 v12, $1.000000000e+00;
	[tilespmem:s29+$0xFFFFFFF0] =	vst v17;
	v11 =	vmax.f32 v11, $0.0e+00  }
0xf8: {  	[tilespmem:s2+$0xB880] =	vst v12;
	v11 =	vmin.f32 v11, $1.000000000e+00  }
0xf9: {  	s8 =	sand.u32 $0x7E0, s28;
	v12 =	vmax.f32 v23, $0.0e+00;
	[tilespmem:s29+$0x0] =	vst v11  }
0xfa: {  	s9 =	sand.u32 $0x7C0, s17;
	v11 =	vmin.f32 v12, $1.000000000e+00;
	[tilespmem:s8+$0xB880] =	vst v18  }
0xfb: {  	s0 =	rddreg [dreg:$0x2];
	s10 =	simm.s32 $0x800;
	[tilespmem:s9+$0xB880] =	vst v11  }
0xfc: {  	[tilespmem:s4], [sflag:$0x4] =	stream.indirect.gather [hbm4b:s0+s10], $0x1, s5, s10, $0xb8;
	[tilespmem:$0xD080] =	vst v63  }
0xfd: {  	s11 =	simm.s32 $0x4880;
	s6 =	simm.s32 $0x8880  }
0xfe: {  	[tilespmem:s6], [sflag:$0x4] =	stream.indirect.gather [hbm4b:s0+s10], $0x1, s11, s10, $0xb8;
	[tilespmem:$0xD080] =	vst v63  }
0xff: {  	s12 =	simm.s32 $0x5080;
	s13 =	simm.s32 $0x9080  }
0x100: {  	[tilespmem:s13], [sflag:$0x4] =	stream.indirect.gather [hbm4b:s0+s10], $0x1, s12, s10, $0xb8;
	[tilespmem:$0xD080] =	vst v63  }
0x101: {  	s14 =	simm.s32 $0x5880;
	s16 =	simm.s32 $0x9880  }
0x102: {  	[tilespmem:s16], [sflag:$0x4] =	stream.indirect.gather [hbm4b:s0+s10], $0x1, s14, s10, $0xb8;
	[tilespmem:$0xD080] =	vst v63  }
0x103: {  	p1 =	seq.s32 s25, $0x7;
	s26 =	sshll.u32 s25, $0xC;
	s0 =	rddreg [dreg:$0xb]  }
0x104: {  	s1 =	sadd.s32 @!p1 s26, s0  }
0x105: {  	s0 =	rddreg [dreg:$0x0];
	s1 =	sshrl.u32 @!p1 s1, $0x3  }
0x106: {  	s8 =	simm.s32 @!p1 $0x80;
	s6 =	simm.s32 @!p1 $0x0;
	s2 =	sadd.s32 @!p1 s0, s1  }
0x107: {  	[tilespmem:s8], [sflag:$0x1] =	stream.linear.gather @!p1 [hbm4b:s2+s6], $0x800, $0x38;
	[tilespmem:$0xD080] =	vst v63  }
0x108: {  	s1 =	sadd.s32 @!p1 s3, s1;
	s2 =	simm.s32 @!p1 $0x1080  }
0x109: {  	[tilespmem:s2], [sflag:$0x1] =	stream.linear.gather @!p1 [hbm4b:s1+s6], $0x800, $0x38;
	[tilespmem:$0xD080] =	vst v63  }
0x10a: {  	_ =	swait.ge [sflag:s15], $0x800  }
0x10b: {  	[sflag:s15] =	ssyncset.done $0x0  }
0x10c: {  	[sflag:s15] =	ssyncadd.s32 $0xFFFFF800  }
0x10d: {  	_ =	swait.ge [sflag:s15], $0x800  }
0x10e: {  	[sflag:s15] =	ssyncset.done $0x0  }
0x10f: {  	[sflag:s15] =	ssyncadd.s32 $0xFFFFF800  }
0x110: {  	_ =	swait.ge [sflag:s15], $0x800  }
0x111: {  	[sflag:s15] =	ssyncset.done $0x0  }
0x112: {  	[sflag:s15] =	ssyncadd.s32 $0xFFFFF800  }
0x113: {  	_ =	swait.ge [sflag:s15], $0x800  }
0x114: {  	p0 =	seq.s32 s25, $0x0;
	s17 =	simm.s32 $0x60;
	[sflag:s15] =	ssyncset.done $0x0  }
0x115: {  	s18 =	simm.s32 $0x0;
	v11 =	vor.u32 s17, v0;
	s2 =	simm.s32 @!p0 $0x5;
	[sflag:s15] =	ssyncadd.s32 $0xFFFFF800  }
0x116: {  	v13 =	vor.u32 s18, v0;
	_ =	swait.ge @!p0 [sflag:s2], $0x800  }
0x117: {  	v14 =	vor.u32 s18, v1;
	[sflag:s2] =	ssyncset.done @!p0 $0x0  }
0x118: {  	v15 =	vor.u32 s18, v2;
	s9 =	simm.s32 $0xA0A0;
	[sflag:s2] =	ssyncadd.s32 @!p0 $0xFFFFF800  }
0x119: {  	s21 =	simm.s32 $0x20;
	v17 =	vor.u32 s18, v3;
	v16 =	vld [tilespmem:s9+$0x0]  }
0x11a: {  	v18 =	vor.u32 s21, v0;
	v12 =	vld.idx.msk [tilespmem:v11+s22+$0x0], $0xffff  }
0x11b: {  	v19 =	vor.u32 s21, v4;
	v11 =	vld.idx.msk [tilespmem:v13+s22+$0x0], $0xffff  }
0x11c: {  	v20 =	vor.u32 s21, v2;
	v23 =	vld.idx.msk [tilespmem:v14+s22+$0x0], $0xffff  }
0x11d: {  	s24 =	simm.s32 $0x40;
	v21 =	vor.u32 s21, v3;
	v13 =	vld.idx.msk [tilespmem:v15+s22+$0x0], $0xffff  }
0x11e: {  	v22 =	vor.u32 s24, v2;
	v24 =	vld.idx.msk [tilespmem:v17+s22+$0x0], $0xffff  }
0x11f: {  	v17 =	vor.u32 s24, v0;
	v14 =	vld.idx.msk [tilespmem:v18+s22+$0x0], $0xffff  }
0x120: {  	v18 =	vor.u32 s24, v5;
	v19 =	vld.idx.msk [tilespmem:v19+s22+$0x0], $0xffff  }
0x121: {  	v25 =	vor.u32 s17, v6;
	v15 =	vld.idx.msk [tilespmem:v20+s22+$0x0], $0xffff  }
0x122: {  	v20 =	vor.u32 s24, v3;
	v26 =	vld.idx.msk [tilespmem:v21+s22+$0x0], $0xffff  }
0x123: {  	v27 =	vor.u32 s17, v3;
	v22 =	vld.idx.msk [tilespmem:v22+s22+$0x0], $0xffff  }
0x124: {  	v21 =	vld.idx.msk [tilespmem:v17+s22+$0x0], $0xffff  }
0x125: {  	v17 =	vor.u32 s17, v2;
	v18 =	vld.idx.msk [tilespmem:v18+s22+$0x0], $0xffff  }
0x126: {  	v28 =	vld.idx.msk [tilespmem:v25+s22+$0x0], $0xffff  }
0x127: {  	v30 =	vld.idx.msk [tilespmem:v20+s22+$0x0], $0xffff  }
0x128: {  	s29 =	simm.s32 $0x10;
	v27 =	vld.idx.msk [tilespmem:v27+s22+$0x0], $0xffff  }
0x129: {  	s31 =	simm.s32 $0x0;
	s30 =	sand.u32 $0x7D0, s29;
	v25 =	vld [tilespmem:s9+$0x10]  }
0x12a: {  	s11 =	simm.s32 $0x0;
	s12 =	simm.s32 $0x30;
	s10 =	simm.s32 $0xC0A0;
	v20 =	vld.idx.msk [tilespmem:v17+s22+$0x0], $0xffff;
	v17 =	vsub.f32 v23, v11;
	v29 =	vsub.f32 v18, v21  }
0x12b: {  	s14 =	simm.s32 $0xE0;
	s16 =	simm.s32 $0x70;
	s28 =	rddreg [dreg:$0x6];
	v18 =	vsub.f32 v24, v13;
	v23 =	vsub.f32 v19, v14;
	v19 =	vld [tilespmem:s30+$0xA880]  }
0x12c: {  	s6 =	sand.u32 $0x7C0, s31;
	s1 =	sor.u32 s26, s28;
	s2 =	sand.u32 $0x7F0, s12;
	v24 =	vsub.f32 v26, v15;
	v26 =	vld [tilespmem:s9+$0xFFFFFFF0];
	v30 =	vsub.f32 v30, v22;
	v29 =	vmul.f32 v16, v29  }
.LBB2_7:
0x12d: {  	s8 =	sadd.s32 $0xFFFFFFA0, s14;
	v31 =	vor.u32 s14, v0;
	s13 =	sand.u32 $0x7F0, s16;
	v32 =	vld [tilespmem:s6+$0xA880];
	s6 =	sadd.s32 $0xFFFFFFF0, s12;
	v28 =	vsub.f32 v28, v12  }
0x12e: {  	s11 =	sadd.s32 $0x4, s11;
	v33 =	vor.u32 s8, v0;
	s6 =	sand.u32 $0x7E0, s6;
	v21 =	vadd.f32 v29, v21;
	v16 =	vmul.f32 v30, v16;
	v29 =	vld [tilespmem:s2+$0xA880];
	s2 =	smov.u32 s13  }
0x12f: {  	s12 =	smov.u32 s16;
	v30 =	vor.u32 s8, v1;
	p2 =	slt.u32 s11, $0x7C;
	v27 =	vsub.f32 v27, v20;
	v34 =	vld [tilespmem:s6+$0xA880];
	v28 =	vmul.f32 v25, v28  }
0x130: {  	v35 =	vor.u32 s8, v2;
	v36 =	vld [tilespmem:s9+$0xFFFFFFE0];
	v22 =	vadd.f32 v16, v22;
	s9 =	sadd.s32 $0x40, s9  }
0x131: {  	v37 =	vor.u32 s8, v3;
	s6 =	sadd.s32 $0xFFFFFFC0, s14;
	v25 =	vmul.f32 v27, v25;
	v16 =	vld [tilespmem:s9+$0x0];
	v28 =	vadd.f32 v28, v12  }
0x132: {  	v27 =	vor.u32 s6, v0;
	v23 =	vmul.f32 v26, v23;
	v12 =	vld.idx.msk [tilespmem:v31+s22+$0x0], $0xffff;
	v22 =	vsub.f32 v22, v21  }
0x133: {  	v24 =	vmul.f32 v24, v26;
	v20 =	vadd.f32 v25, v20;
	v31 =	vld.idx.msk [tilespmem:v33+s22+$0x0], $0xffff;
	v33 =	vor.u32 s6, v4  }
0x134: {  	v26 =	vor.u32 s6, v2;
	v23 =	vadd.f32 v23, v14;
	v25 =	vld.idx.msk [tilespmem:v30+s22+$0x0], $0xffff;
	v14 =	vmul.f32 v22, v34  }
0x135: {  	v15 =	vadd.f32 v24, v15;
	v30 =	vor.u32 s6, v3;
	s6 =	sadd.s32 $0xFFFFFFE0, s14;
	v20 =	vsub.f32 v20, v28;
	v22 =	vld.idx.msk [tilespmem:v35+s22+$0x0], $0xffff  }
0x136: {  	v34 =	vor.u32 s6, v0;
	v18 =	vmul.f32 v18, v36;
	v24 =	vld.idx.msk [tilespmem:v37+s22+$0x0], $0xffff;
	v21 =	vadd.f32 v14, v21  }
0x137: {  	v35 =	vsub.f32 v15, v23;
	v20 =	vmul.f32 v20, v29;
	v14 =	vld.idx.msk [tilespmem:v27+s22+$0x0], $0xffff;
	v27 =	vor.u32 s6, v5  }
0x138: {  	v36 =	vmul.f32 v36, v17;
	v37 =	vadd.f32 v18, v13;
	v29 =	vld.idx.msk [tilespmem:v33+s22+$0x0], $0xffff;
	v33 =	vor.u32 s6, v2;
	[tilespmem:s10+$0x0] =	vst v21  }
0x139: {  	v35 =	vmul.f32 v35, v19;
	v18 =	vadd.f32 v20, v28;
	v15 =	vld.idx.msk [tilespmem:v26+s22+$0x0], $0xffff;
	v26 =	vor.u32 s6, v3  }
0x13a: {  	v20 =	vor.u32 s14, v6;
	v17 =	vsub.f32 v25, v31;
	v25 =	vadd.f32 v36, v11;
	v11 =	vmovc v31;
	v19 =	vld.idx.msk [tilespmem:v30+s22+$0x0], $0xffff  }
0x13b: {  	v23 =	vadd.f32 v35, v23;
	v30 =	vor.u32 s14, v2;
	v13 =	vmov v22;
	v21 =	vld.idx.msk [tilespmem:v34+s22+$0x0], $0xffff;
	[tilespmem:s10+$0x10] =	vst v18  }
0x13c: {  	v18 =	vsub.f32 v24, v13;
	v24 =	vsub.f32 v37, v25;
	v31 =	vld.idx.msk [tilespmem:v27+s22+$0x0], $0xffff;
	v27 =	vor.u32 s14, v3  }
0x13d: {  	v22 =	vld.idx.msk [tilespmem:v33+s22+$0x0], $0xffff;
	[tilespmem:s10+$0xFFFFFFF0] =	vst v23  }
0x13e: {  	v23 =	vsub.f32 v29, v14;
	v33 =	vld.idx.msk [tilespmem:v26+s22+$0x0], $0xffff;
	v26 =	vmul.f32 v24, v32  }
0x13f: {  	v28 =	vld.idx.msk [tilespmem:v20+s22+$0x0], $0xffff  }
.Ltmp2:
0x140: {  	v24 =	vsub.f32 v19, v15;
	v20 =	vld.idx.msk [tilespmem:v30+s22+$0x0], $0xffff;
	v19 =	vadd.f32 v26, v25;
	(pc) =	sbr.rel @p2 .LBB2_7-.Ltmp2, $4  }
0x141: {  	s6 =	sadd.s32 $0xFFFFFFE0, s16;
	v27 =	vld.idx.msk [tilespmem:v27+s22+$0x0], $0xffff  }
0x142: {  	s6 =	sand.u32 $0x7D0, s6;
	v29 =	vsub.f32 v31, v21;
	v25 =	vld [tilespmem:s9+$0x10];
	[tilespmem:s10+$0xFFFFFFE0] =	vst v19  }
0x143: {  	s8 =	sadd.s32 $0xFFFFFFD0, s16;
	s10 =	sadd.s32 $0x40, s10;
	v19 =	vld [tilespmem:s6+$0xA880]  }
0x144: {  	s16 =	sadd.s32 $0x40, s16;
	s14 =	sadd.s32 $0x80, s14;
	s6 =	sand.u32 $0x7C0, s8;
	v29 =	vmul.f32 v16, v29;
	v30 =	vsub.f32 v33, v22;
	v26 =	vld [tilespmem:s9+$0xFFFFFFF0]  }
0x145: {  	v28 =	vsub.f32 v28, v12  }
0x146: {  	v56 =	vld [tilespmem:s9+$0xFFFFFFE0];
	v16 =	vmul.f32 v30, v16;
	v27 =	vsub.f32 v27, v20  }
0x147: {  	s8 =	sadd.s32 $0xFFFFFFF0, s12;
	v28 =	vmul.f32 v25, v28  }
0x148: {  	s8 =	sand.u32 $0x7E0, s8;
	v21 =	vadd.f32 v29, v21;
	v16 =	vadd.f32 v16, v22;
	v57 =	vmul.f32 v27, v25  }
0x149: {  	v58 =	vld [tilespmem:s8+$0xA880];
	v59 =	vadd.f32 v28, v12;
	v23 =	vmul.f32 v26, v23  }
0x14a: {  	v60 =	vld [tilespmem:s2+$0xA880];
	v24 =	vmul.f32 v24, v26;
	v16 =	vsub.f32 v16, v21;
	v61 =	vadd.f32 v57, v20  }
0x14b: {  	v18 =	vmul.f32 v18, v56;
	v17 =	vmul.f32 v56, v17;
	v14 =	vadd.f32 v23, v14  }
0x14c: {  	v62 =	vld [tilespmem:s6+$0xA880];
	v15 =	vadd.f32 v24, v15;
	v20 =	vsub.f32 v61, v59  }
0x14d: {  	v13 =	vadd.f32 v18, v13;
	v11 =	vadd.f32 v17, v11  }
0x14e: {  	v16 =	vmul.f32 v16, v58;
	v15 =	vsub.f32 v15, v14  }
0x14f: {  	v63 =	vmul.f32 v20, v60;
	v13 =	vsub.f32 v13, v11  }
0x150: {  	v16 =	vadd.f32 v16, v21;
	v15 =	vmul.f32 v15, v19  }
0x151: {  	v12 =	vadd.f32 v63, v59;
	v13 =	vmul.f32 v13, v62  }
.Ltmp3:
0x152: {  	[tilespmem:s10+$0x0] =	vst v16;
	v14 =	vadd.f32 v15, v14;
	(pc) =	sbr.rel @p1 .LBB2_12-.Ltmp3, $4  }
0x153: {  	[tilespmem:s10+$0x10] =	vst v12;
	v11 =	vadd.f32 v13, v11  }
0x154: {  	s28 =	sshrl.u32 s1, $0x3;
	[tilespmem:s10+$0xFFFFFFF0] =	vst v14  }
0x155: {  	s21 =	smov.u32 s7;
	s0 =	simm.s32 $0xC080;
	s1 =	sadd.s32 s7, s28;
	[tilespmem:s10+$0xFFFFFFE0] =	vst v11  }
0x156: {  	[hbm4b:s1+s19] =	stream.linear.scatter [tilespmem:s0], [sflag:$0x5], $0x800, $0x38;
	[tilespmem:$0xD080] =	vst v63  }
0x157: {  	s1 =	simm.s32 $0x1  }
0x158: {  	s0 =	smov.u32 s3;
	s3 =	rddreg [dreg:$0x0];
	_ =	swait.ge [sflag:s1], $0x800  }
0x159: {  	[sflag:s1] =	ssyncset.done $0x0  }
0x15a: {  	[sflag:s1] =	ssyncadd.s32 $0xFFFFF800  }
0x15b: {  	_ =	swait.ge [sflag:s1], $0x800  }
0x15c: {  	[sflag:s1] =	ssyncset.done $0x0  }
0x15d: {  	s2 =	simm.s32 $0x10A0;
	[sflag:s1] =	ssyncadd.s32 $0xFFFFF800  }
0x15e: {  	s6 =	simm.s32 $0xA0;
	v14 =	vld [tilespmem:s2+$0xFFFFFFF0]  }
0x15f: {  	v15 =	vld [tilespmem:s6+$0x10]  }
0x160: {  	v16 =	vld [tilespmem:s2+$0xFFFFFFE0]  }
0x161: {  	v17 =	vld [tilespmem:s6+$0xFFFFFFE0]  }
0x162: {  	v18 =	vld [tilespmem:s2+$0x10]  }
0x163: {  	s24 =	simm.s32 $0x0;
	v19 =	vld [tilespmem:s6+$0xFFFFFFF0]  }
0x164: {  	s8 =	simm.s32 $0x60;
	s29 =	simm.s32 $0x20;
	v12 =	vor.u32 s24, v2;
	v11 =	vor.u32 s24, v3;
	v13 =	vor.u32 s24, v1;
	v22 =	vld [tilespmem:s6+$0x0]  }
0x165: {  	v21 =	vor.u32 s8, v0;
	v28 =	vor.u32 s29, v0;
	v23 =	vld [tilespmem:s2+$0x0];
	v16 =	vsub.f32 v16, v9  }
0x166: {  	v25 =	vor.u32 s8, v2;
	v15 =	vsub.f32 v15, v7;
	v17 =	vsub.f32 v17, v7  }
0x167: {  	v20 =	vsub.f32 v14, v9;
	v18 =	vsub.f32 v18, v9;
	v29 =	vmul.f32 v16, v10  }
0x168: {  	v30 =	vmul.f32 v15, v8;
	v15 =	vsub.f32 v19, v7;
	v19 =	vmul.f32 v17, v8  }
0x169: {  	v24 =	vmul.f32 v18, v10;
	v16 =	vsub.f32 v22, v7;
	v18 =	vmul.f32 v20, v10  }
0x16a: {  	v20 =	vsub.f32 v23, v9;
	v17 =	vtrunc.f32 v29;
	v22 =	vtrunc.f32 v30  }
0x16b: {  	s17 =	simm.s32 $0x40;
	v26 =	vor.u32 s8, v3;
	v27 =	vtrunc.f32 v19;
	v31 =	vtrunc.f32 v18  }
0x16c: {  	v32 =	vor.u32 s17, v2;
	v34 =	vmul.f32 v16, v8;
	v16 =	vmul.f32 v20, v10  }
0x16d: {  	v33 =	vor.u32 s17, v0;
	v15 =	vmul.f32 v15, v8;
	v17 =	vcvt.f32.s32 v17  }
0x16e: {  	v35 =	vor.u32 s17, v5;
	v31 =	vcvt.f32.s32 v31;
	v20 =	vcvt.f32.s32 v22  }
0x16f: {  	v14 =	vor.u32 s29, v4;
	v22 =	vtrunc.f32 v24;
	v27 =	vcvt.f32.s32 v27  }
0x170: {  	v23 =	vor.u32 s8, v6;
	v36 =	vtrunc.f32 v34;
	v22 =	vcvt.f32.s32 v22  }
0x171: {  	vm0 =	vgt.s32 v31, $0x0;
	v36 =	vcvt.f32.s32 v36;
	vm10 =	vgt.s32 v17, $0x0  }
0x172: {  	vm1 =	vgt.s32 v27, $0x0;
	vm13 =	vgt.s32 v20, $0x0;
	v31 =	vnsel vm0, $0x0, v31  }
0x173: {  	v38 =	vnsel vm10, $0x0, v17;
	v17 =	vtrunc.f32 v16;
	v31 =	vmin.u32 v31, $0xFFE  }
0x174: {  	v27 =	vnsel vm1, $0x0, v27;
	v57 =	vnsel vm13, $0x0, v20;
	v37 =	vcvt.s32.f32 v31  }
0x175: {  	vm14 =	vgt.s32 v22, $0x0;
	v55 =	vcvt.f32.s32 v17;
	v17 =	vmin.u32 v27, $0xFFE  }
0x176: {  	v27 =	vtrunc.f32 v15;
	vm11 =	vgt.s32 v36, $0x0;
	v18 =	vsub.f32 v18, v37  }
0x177: {  	v58 =	vmin.u32 v57, $0xFFE;
	v39 =	vcvt.s32.f32 v17;
	v40 =	vshll.u32 v17, $0xC  }
0x178: {  	v56 =	vcvt.f32.s32 v27;
	v42 =	vshll.u32 v58, $0xC;
	v18 =	vmax.f32 v18, $0.0e+00  }
0x179: {  	vm12 =	vgt.s32 v55, $0x0;
	v17 =	vmin.f32 v18, $1.000000000e+00;
	v18 =	vnsel vm11, $0x0, v36  }
0x17a: {  	v27 =	vnsel vm12, $0x0, v55;
	vm15 =	vgt.s32 v56, $0x0;
	v18 =	vmin.u32 v18, $0xFFE  }
0x17b: {  	v27 =	vmin.u32 v27, $0xFFE;
	v41 =	vcvt.s32.f32 v18;
	v18 =	vshll.u32 v18, $0xC  }
0x17c: {  	v63 =	vnsel vm15, $0x0, v56;
	v20 =	vor.u32 v27, v18;
	v18 =	vnsel vm14, $0x0, v22  }
0x17d: {  	v27 =	vcvt.s32.f32 v27;
	v22 =	vsub.f32 v34, v41;
	v18 =	vmin.u32 v18, $0xFFE  }
0x17e: {  	v59 =	vadd.s32 $0x1, v20;
	v34 =	vcvt.s32.f32 v58;
	v61 =	vadd.s32 $0x1000, v20  }
0x17f: {  	[tilespmem:v33+s20+$0x0] =	vst.idx.msk $0xffff, v20;
	v60 =	vcvt.s32.f32 v18;
	v42 =	vor.u32 v18, v42;
	v22 =	vmax.f32 v22, $0.0e+00  }
0x180: {  	[tilespmem:v21+s20+$0x0] =	vst.idx.msk $0xffff, v42;
	v21 =	vadd.s32 $0x1, v42;
	v30 =	vsub.f32 v30, v34;
	v62 =	vadd.s32 $0x1000, v42  }
0x181: {  	[tilespmem:v35+s20+$0x0] =	vst.idx.msk $0xffff, v59;
	v34 =	vmin.u32 v63, $0xFFE;
	v18 =	vmin.f32 v22, $1.000000000e+00;
	v22 =	vsub.f32 v24, v60  }
0x182: {  	v24 =	vor.u32 s24, v0;
	[tilespmem:v23+s20+$0x0] =	vst.idx.msk $0xffff, v21;
	v21 =	vmin.u32 v38, $0xFFE;
	v23 =	vadd.s32 $0x1001, v42  }
0x183: {  	[tilespmem:v25+s20+$0x0] =	vst.idx.msk $0xffff, v62;
	v25 =	vor.u32 v21, v40;
	v30 =	vmax.f32 v30, $0.0e+00;
	v22 =	vmax.f32 v22, $0.0e+00  }
0x184: {  	s9 =	simm.s32 $0x30;
	s31 =	simm.s32 $0xA0A0;
	[tilespmem:v26+s20+$0x0] =	vst.idx.msk $0xffff, v23;
	v26 =	vcvt.s32.f32 v21;
	v21 =	vmin.f32 v30, $1.000000000e+00;
	v23 =	vsub.f32 v19, v39  }
0x185: {  	s11 =	simm.s32 $0x0;
	s14 =	simm.s32 $0x10;
	s30 =	simm.s32 $0x20;
	[tilespmem:v32+s20+$0x0] =	vst.idx.msk $0xffff, v61;
	v30 =	vadd.s32 $0x1, v25;
	v19 =	vshll.u32 v34, $0xC;
	v22 =	vmin.f32 v22, $1.000000000e+00  }
0x186: {  	s18 =	simm.s32 $0x0;
	s12 =	simm.s32 $0xA0E0;
	s16 =	simm.s32 $0xE0;
	v32 =	vor.u32 v31, v19;
	v31 =	vadd.s32 $0x1000, v25;
	[tilespmem:s31+$0x10] =	vst v22;
	v26 =	vsub.f32 v29, v26  }
0x187: {  	s10 =	simm.s32 $0x30;
	s1 =	simm.s32 $0x10E0;
	s24 =	simm.s32 $0xE0;
	v22 =	vcvt.s32.f32 v34;
	[tilespmem:v28+s20+$0x0] =	vst.idx.msk $0xffff, v32;
	v29 =	vadd.s32 $0x1, v32;
	v28 =	vadd.s32 $0x1000, v32  }
.LBB2_10:
0x188: {  	s2 =	sadd.s32 $0xFFFFFFA0, s16;
	v19 =	vld [tilespmem:s1+$0xFFFFFFF0];
	s11 =	sadd.s32 $0x4, s11;
	v23 =	vmax.f32 v23, $0.0e+00;
	v33 =	vadd.s32 $0x1001, v25;
	v32 =	vadd.s32 $0x1001, v32;
	s9 =	sadd.s32 $0x40, s9  }
0x189: {  	v16 =	vsub.f32 v16, v27;
	v27 =	vor.u32 s17, v3;
	v34 =	vor.u32 s2, v2;
	s13 =	sadd.s32 $0xFFFFFFE0, s9;
	s8 =	sadd.s32 $0xFFFFFFF0, s9;
	v35 =	vld [tilespmem:s24+$0x10];
	p1 =	slt.u32 s11, $0x7C  }
0x18a: {  	s6 =	sadd.s32 $0xFFFFFFD0, s9;
	v37 =	vor.u32 s2, v3;
	v36 =	vld [tilespmem:s1+$0xFFFFFFE0]  }
0x18b: {  	v39 =	vor.u32 s29, v2;
	v40 =	vor.u32 s29, v3;
	v16 =	vmax.f32 v16, $0.0e+00;
	v38 =	vld [tilespmem:s24+$0xFFFFFFE0];
	[tilespmem:v24+s20+$0x0] =	vst.idx.msk $0xffff, v25  }
0x18c: {  	v20 =	vadd.s32 $0x1001, v20;
	v16 =	vmin.f32 v16, $1.000000000e+00;
	v41 =	vld [tilespmem:s1+$0x10];
	[tilespmem:v13+s20+$0x0] =	vst.idx.msk $0xffff, v30;
	v13 =	vor.u32 s2, v1  }
0x18d: {  	s29 =	sadd.s32 $0xFFFFFFC0, s16;
	v15 =	vsub.f32 v15, v22;
	v42 =	vmin.f32 v23, $1.000000000e+00;
	v24 =	vor.u32 s16, v0;
	v30 =	vld [tilespmem:s24+$0xFFFFFFF0];
	[tilespmem:v12+s20+$0x0] =	vst.idx.msk $0xffff, v31;
	v12 =	vmovc v34  }
0x18e: {  	v22 =	vor.u32 s29, v4;
	v31 =	vsub.f32 v19, v9;
	v19 =	vor.u32 s29, v0;
	v34 =	vld [tilespmem:s24+$0x0];
	[tilespmem:v11+s20+$0x0] =	vst.idx.msk $0xffff, v33;
	v11 =	vmovc v37  }
0x18f: {  	v23 =	vor.u32 s16, v3;
	v25 =	vor.u32 s16, v2;
	v33 =	vsub.f32 v36, v9;
	v36 =	vld [tilespmem:s1+$0x0];
	[tilespmem:v14+s20+$0x0] =	vst.idx.msk $0xffff, v29;
	v14 =	vmovc v22  }
0x190: {  	v15 =	vmax.f32 v15, $0.0e+00;
	v35 =	vsub.f32 v35, v7;
	v29 =	vsub.f32 v38, v7;
	[tilespmem:v27+s20+$0x0] =	vst.idx.msk $0xffff, v20  }
0x191: {  	v26 =	vmax.f32 v26, $0.0e+00;
	v22 =	vmul.f32 v33, v10;
	v20 =	vsub.f32 v41, v9;
	[tilespmem:v39+s20+$0x0] =	vst.idx.msk $0xffff, v28  }
0x192: {  	v28 =	vmul.f32 v35, v8;
	v27 =	vsub.f32 v30, v7;
	v30 =	vmin.f32 v26, $1.000000000e+00;
	[tilespmem:v40+s20+$0x0] =	vst.idx.msk $0xffff, v32  }
0x193: {  	v26 =	vmul.f32 v29, v8;
	v29 =	vsub.f32 v34, v7;
	v32 =	vmul.f32 v20, v10;
	[tilespmem:s31+$0xFFFFFFE0] =	vst v30  }
0x194: {  	s7 =	sand.u32 $0x7F0, s10;
	s10 =	smov.u32 s9;
	v20 =	vtrunc.f32 v22;
	v30 =	vmul.f32 v31, v10;
	v31 =	vsub.f32 v36, v9;
	[tilespmem:s31+$0xFFFFFFF0] =	vst v17  }
0x195: {  	s17 =	sadd.s32 $0xFFFFFFE0, s16;
	s19 =	sand.u32 $0x7D0, s14;
	s14 =	smov.u32 s13;
	v15 =	vmin.f32 v15, $1.000000000e+00;
	v33 =	vor.u32 s16, v6;
	v17 =	vtrunc.f32 v28;
	[tilespmem:s7+$0xA880] =	vst v21  }
0x196: {  	v35 =	vor.u32 s17, v2;
	v21 =	vtrunc.f32 v26;
	v34 =	vtrunc.f32 v30;
	[tilespmem:s19+$0xA880] =	vst v15  }
0x197: {  	s13 =	sand.u32 $0x7E0, s30;
	s30 =	smov.u32 s8;
	v20 =	vcvt.f32.s32 v20;
	v36 =	vor.u32 s17, v0;
	s7 =	sand.u32 $0x7C0, s18;
	v34 =	vcvt.f32.s32 v34;
	[tilespmem:s31+$0x0] =	vst v16  }
0x198: {  	v29 =	vmul.f32 v29, v8;
	s18 =	smov.u32 s6;
	v16 =	vmul.f32 v31, v10;
	v31 =	vor.u32 s17, v5;
	s31 =	smov.u32 s12;
	[tilespmem:s13+$0xA880] =	vst v18  }
0x199: {  	vm0 =	vgt.s32 v34, $0x0;
	v18 =	vcvt.f32.s32 v17;
	v17 =	vtrunc.f32 v32;
	[tilespmem:s7+$0xA880] =	vst v42  }
0x19a: {  	v15 =	vmul.f32 v27, v8;
	v27 =	vnsel vm0, $0x0, v34;
	v34 =	vtrunc.f32 v29  }
0x19b: {  	v21 =	vcvt.f32.s32 v21;
	v37 =	vmin.u32 v27, $0xFFE;
	v27 =	vcvt.f32.s32 v34  }
0x19c: {  	vm0 =	vgt.s32 v20, $0x0;
	v38 =	vcvt.f32.s32 v17;
	v34 =	vcvt.s32.f32 v37  }
0x19d: {  	vm1 =	vgt.s32 v21, $0x0;
	v17 =	vtrunc.f32 v16;
	v39 =	vnsel vm0, $0x0, v20  }
0x19e: {  	v20 =	vnsel vm1, $0x0, v21;
	v21 =	vsub.f32 v30, v34;
	v30 =	vcvt.f32.s32 v17  }
0x19f: {  	vm0 =	vgt.s32 v27, $0x0;
	v17 =	vmin.u32 v20, $0xFFE;
	v20 =	vtrunc.f32 v15  }
0x1a0: {  	v34 =	vcvt.s32.f32 v17;
	v21 =	vmax.f32 v21, $0.0e+00;
	vm1 =	vgt.s32 v30, $0x0  }
0x1a1: {  	v40 =	vshll.u32 v17, $0xC;
	v17 =	vmin.f32 v21, $1.000000000e+00;
	v21 =	vnsel vm0, $0x0, v27  }
0x1a2: {  	v41 =	vcvt.f32.s32 v20;
	vm0 =	vgt.s32 v18, $0x0;
	v20 =	vmin.u32 v21, $0xFFE  }
0x1a3: {  	v21 =	vnsel vm1, $0x0, v30;
	v18 =	vnsel vm0, $0x0, v18;
	vm1 =	vgt.s32 v38, $0x0  }
0x1a4: {  	v21 =	vmin.u32 v21, $0xFFE;
	v27 =	vcvt.s32.f32 v20;
	v20 =	vshll.u32 v20, $0xC  }
0x1a5: {  	vm0 =	vgt.s32 v41, $0x0;
	v30 =	vnsel vm1, $0x0, v38;
	v20 =	vor.u32 v21, v20  }
0x1a6: {  	v18 =	vmin.u32 v18, $0xFFE;
	v27 =	vsub.f32 v29, v27;
	v29 =	vmin.u32 v30, $0xFFE  }
0x1a7: {  	v42 =	vshll.u32 v18, $0xC;
	v30 =	vadd.s32 $0x1, v20;
	v38 =	vcvt.s32.f32 v29  }
0x1a8: {  	v29 =	vor.u32 v29, v42;
	v27 =	vmax.f32 v27, $0.0e+00;
	[tilespmem:v36+s20+$0x0] =	vst.idx.msk $0xffff, v20;
	v36 =	vcvt.s32.f32 v18  }
0x1a9: {  	v18 =	vmin.f32 v27, $1.000000000e+00;
	v27 =	vcvt.s32.f32 v21;
	v21 =	vsub.f32 v32, v38;
	[tilespmem:v24+s20+$0x0] =	vst.idx.msk $0xffff, v29  }
0x1aa: {  	v24 =	vor.u32 s2, v0;
	[tilespmem:v31+s20+$0x0] =	vst.idx.msk $0xffff, v30;
	v31 =	vadd.s32 $0x1000, v20;
	v30 =	vadd.s32 $0x1, v29  }
0x1ab: {  	v28 =	vsub.f32 v28, v36;
	v21 =	vmax.f32 v21, $0.0e+00;
	[tilespmem:v33+s20+$0x0] =	vst.idx.msk $0xffff, v30;
	v30 =	vadd.s32 $0x1000, v29  }
0x1ac: {  	v32 =	vmin.u32 v39, $0xFFE;
	v33 =	vmin.f32 v21, $1.000000000e+00;
	v21 =	vadd.s32 $0x1001, v29;
	[tilespmem:v25+s20+$0x0] =	vst.idx.msk $0xffff, v30  }
.Ltmp4:
0x1ad: {  	v29 =	vnsel vm0, $0x0, v41;
	v25 =	vor.u32 v32, v40;
	v28 =	vmax.f32 v28, $0.0e+00;
	[tilespmem:v23+s20+$0x0] =	vst.idx.msk $0xffff, v21;
	(pc) =	sbr.rel @p1 .LBB2_10-.Ltmp4, $4  }
0x1ae: {  	v32 =	vcvt.s32.f32 v32;
	v29 =	vmin.u32 v29, $0xFFE;
	v21 =	vmin.f32 v28, $1.000000000e+00;
	[tilespmem:s12+$0x10] =	vst v33  }
0x1af: {  	v23 =	vsub.f32 v26, v34;
	v30 =	vadd.s32 $0x1, v25;
	v28 =	vshll.u32 v29, $0xC;
	[tilespmem:v35+s20+$0x0] =	vst.idx.msk $0xffff, v31  }
0x1b0: {  	v26 =	vsub.f32 v22, v32;
	v22 =	vcvt.s32.f32 v29;
	v32 =	vor.u32 v37, v28;
	s12 =	sadd.s32 $0x40, s12  }
0x1b1: {  	s24 =	sadd.s32 $0x40, s24;
	s1 =	sadd.s32 $0x40, s1;
	s16 =	sadd.s32 $0x80, s16;
	v31 =	vadd.s32 $0x1000, v25;
	v29 =	vadd.s32 $0x1, v32;
	v28 =	vadd.s32 $0x1000, v32;
	[tilespmem:v19+s20+$0x0] =	vst.idx.msk $0xffff, v32  }
0x1b2: {  	_ =	sdelay $0x3  }
0x1b3: {  	[tilespmem:v24+s20+$0x0] =	vst.idx.msk $0xffff, v25  }
0x1b4: {  	v19 =	vor.u32 s17, v3;
	[tilespmem:v14+s20+$0x0] =	vst.idx.msk $0xffff, v29  }
0x1b5: {  	v57 =	vor.u32 s29, v2;
	s1 =	sand.u32 $0x7F0, s10;
	[tilespmem:v13+s20+$0x0] =	vst.idx.msk $0xffff, v30  }
0x1b6: {  	v59 =	vor.u32 s29, v3;
	[tilespmem:s1+$0xA880] =	vst v21  }
0x1b7: {  	v58 =	vadd.s32 $0x1001, v25;
	[tilespmem:v12+s20+$0x0] =	vst.idx.msk $0xffff, v31  }
0x1b8: {  	[tilespmem:v11+s20+$0x0] =	vst.idx.msk $0xffff, v58;
	v11 =	vadd.s32 $0x1001, v20  }
0x1b9: {  	[tilespmem:v19+s20+$0x0] =	vst.idx.msk $0xffff, v11  }
0x1ba: {  	v60 =	vmax.f32 v26, $0.0e+00;
	v61 =	vsub.f32 v15, v22;
	v11 =	vadd.s32 $0x1001, v32;
	[tilespmem:v57+s20+$0x0] =	vst.idx.msk $0xffff, v28  }
0x1bb: {  	v12 =	vmin.f32 v60, $1.000000000e+00;
	[tilespmem:v59+s20+$0x0] =	vst.idx.msk $0xffff, v11;
	v11 =	vsub.f32 v16, v27  }
0x1bc: {  	v62 =	vmax.f32 v61, $0.0e+00;
	[tilespmem:s31+$0xFFFFFFE0] =	vst v12  }
0x1bd: {  	s2 =	sand.u32 $0x7D0, s14;
	v12 =	vmin.f32 v62, $1.000000000e+00;
	[tilespmem:s31+$0xFFFFFFF0] =	vst v17;
	v11 =	vmax.f32 v11, $0.0e+00  }
0x1be: {  	[tilespmem:s2+$0xA880] =	vst v12;
	v11 =	vmin.f32 v11, $1.000000000e+00  }
0x1bf: {  	v63 =	vmax.f32 v23, $0.0e+00;
	s11 =	sand.u32 $0x7E0, s30;
	[tilespmem:s31+$0x0] =	vst v11  }
0x1c0: {  	s12 =	sand.u32 $0x7C0, s18;
	v11 =	vmin.f32 v63, $1.000000000e+00;
	[tilespmem:s11+$0xA880] =	vst v18  }
0x1c1: {  	s13 =	rddreg [dreg:$0x2];
	s14 =	simm.s32 $0x800;
	s6 =	simm.s32 $0x2880;
	[tilespmem:s12+$0xA880] =	vst v11  }
0x1c2: {  	[tilespmem:s22], [sflag:$0x3] =	stream.indirect.gather [hbm4b:s13+s14], $0x1, s20, s14, $0xb8;
	[tilespmem:$0xD080] =	vst v63  }
0x1c3: {  	s7 =	simm.s32 $0x6880;
	s16 =	simm.s32 $0x3080;
	s24 =	rddreg [dreg:$0xc]  }
0x1c4: {  	[tilespmem:s7], [sflag:$0x3] =	stream.indirect.gather [hbm4b:s13+s14], $0x1, s6, s14, $0xb8;
	[tilespmem:$0xD080] =	vst v63  }
0x1c5: {  	s17 =	simm.s32 $0x7080;
	s18 =	simm.s32 $0x3880;
	s1 =	sadd.s32 s26, s24  }
0x1c6: {  	[tilespmem:s17], [sflag:$0x3] =	stream.indirect.gather [hbm4b:s13+s14], $0x1, s16, s14, $0xb8;
	[tilespmem:$0xD080] =	vst v63  }
0x1c7: {  	s19 =	simm.s32 $0x7880;
	s29 =	simm.s32 $0x0;
	s1 =	sshrl.u32 s1, $0x3  }
0x1c8: {  	[tilespmem:s19], [sflag:$0x3] =	stream.indirect.gather [hbm4b:s13+s14], $0x1, s18, s14, $0xb8;
	[tilespmem:$0xD080] =	vst v63  }
0x1c9: {  	s30 =	simm.s32 $0x880;
	s31 =	simm.s32 $0x1880;
	s26 =	sadd.s32 s3, s1  }
0x1ca: {  	[tilespmem:s30], [sflag:$0x2] =	stream.linear.gather [hbm4b:s26+s29], $0x800, $0x38;
	[tilespmem:$0xD080] =	vst v63  }
0x1cb: {  	s3 =	smov.u32 s0;
	s1 =	sadd.s32 s0, s1;
	s19 =	simm.s32 $0x0  }
0x1cc: {  	[tilespmem:s31], [sflag:$0x2] =	stream.linear.gather [hbm4b:s1+s29], $0x800, $0x38;
	[tilespmem:$0xD080] =	vst v63  }
.LBB2_12:
0x1cd: {  	_ =	swait.ge [sflag:s23], $0x800  }
0x1ce: {  	[sflag:s23] =	ssyncset.done $0x0  }
0x1cf: {  	[sflag:s23] =	ssyncadd.s32 $0xFFFFF800  }
0x1d0: {  	_ =	swait.ge [sflag:s23], $0x800  }
0x1d1: {  	[sflag:s23] =	ssyncset.done $0x0  }
0x1d2: {  	[sflag:s23] =	ssyncadd.s32 $0xFFFFF800  }
0x1d3: {  	_ =	swait.ge [sflag:s23], $0x800  }
0x1d4: {  	[sflag:s23] =	ssyncset.done $0x0  }
0x1d5: {  	[sflag:s23] =	ssyncadd.s32 $0xFFFFF800  }
0x1d6: {  	_ =	swait.ge [sflag:s23], $0x800  }
0x1d7: {  	s1 =	simm.s32 $0x60;
	[sflag:s23] =	ssyncset.done $0x0  }
0x1d8: {  	s2 =	simm.s32 @!p0 $0x6;
	s6 =	simm.s32 $0x0;
	v11 =	vor.u32 s1, v0;
	[sflag:s23] =	ssyncadd.s32 $0xFFFFF800  }
0x1d9: {  	v13 =	vor.u32 s6, v0;
	_ =	swait.ge @!p0 [sflag:s2], $0x800  }
0x1da: {  	v14 =	vor.u32 s6, v1;
	[sflag:s2] =	ssyncset.done @!p0 $0x0  }
0x1db: {  	s9 =	simm.s32 $0xB0A0;
	v15 =	vor.u32 s6, v2;
	[sflag:s2] =	ssyncadd.s32 @!p0 $0xFFFFF800  }
0x1dc: {  	s26 =	simm.s32 $0x20;
	v17 =	vor.u32 s6, v3;
	v16 =	vld [tilespmem:s9+$0x0]  }
0x1dd: {  	v18 =	vor.u32 s26, v0;
	v12 =	vld.idx.msk [tilespmem:v11+s4+$0x0], $0xffff  }
0x1de: {  	v19 =	vor.u32 s26, v4;
	v11 =	vld.idx.msk [tilespmem:v13+s4+$0x0], $0xffff  }
0x1df: {  	v20 =	vor.u32 s26, v2;
	v23 =	vld.idx.msk [tilespmem:v14+s4+$0x0], $0xffff  }
0x1e0: {  	s29 =	simm.s32 $0x40;
	v21 =	vor.u32 s26, v3;
	v13 =	vld.idx.msk [tilespmem:v15+s4+$0x0], $0xffff  }
0x1e1: {  	v22 =	vor.u32 s29, v2;
	v24 =	vld.idx.msk [tilespmem:v17+s4+$0x0], $0xffff  }
0x1e2: {  	v17 =	vor.u32 s29, v0;
	v14 =	vld.idx.msk [tilespmem:v18+s4+$0x0], $0xffff  }
0x1e3: {  	v18 =	vor.u32 s29, v5;
	v19 =	vld.idx.msk [tilespmem:v19+s4+$0x0], $0xffff  }
0x1e4: {  	v25 =	vor.u32 s1, v6;
	v15 =	vld.idx.msk [tilespmem:v20+s4+$0x0], $0xffff  }
0x1e5: {  	v20 =	vor.u32 s29, v3;
	v26 =	vld.idx.msk [tilespmem:v21+s4+$0x0], $0xffff  }
0x1e6: {  	v27 =	vor.u32 s1, v3;
	v22 =	vld.idx.msk [tilespmem:v22+s4+$0x0], $0xffff  }
0x1e7: {  	v21 =	vld.idx.msk [tilespmem:v17+s4+$0x0], $0xffff  }
0x1e8: {  	v17 =	vor.u32 s1, v2;
	v18 =	vld.idx.msk [tilespmem:v18+s4+$0x0], $0xffff  }
0x1e9: {  	v28 =	vld.idx.msk [tilespmem:v25+s4+$0x0], $0xffff  }
0x1ea: {  	v30 =	vld.idx.msk [tilespmem:v20+s4+$0x0], $0xffff  }
0x1eb: {  	v27 =	vld.idx.msk [tilespmem:v27+s4+$0x0], $0xffff  }
0x1ec: {  	s30 =	simm.s32 $0x10;
	v25 =	vld [tilespmem:s9+$0x10]  }
0x1ed: {  	s11 =	simm.s32 $0x30;
	s10 =	simm.s32 $0x0;
	s31 =	sand.u32 $0x7D0, s30;
	v20 =	vld.idx.msk [tilespmem:v17+s4+$0x0], $0xffff;
	v17 =	vsub.f32 v23, v11;
	v29 =	vsub.f32 v18, v21  }
0x1ee: {  	s7 =	simm.s32 $0x0;
	s12 =	simm.s32 $0xE0;
	s14 =	simm.s32 $0x70;
	v18 =	vsub.f32 v24, v13;
	v23 =	vsub.f32 v19, v14;
	v19 =	vld [tilespmem:s31+$0xB880]  }
0x1ef: {  	s6 =	sand.u32 $0x7C0, s7;
	s2 =	sand.u32 $0x7F0, s11;
	s1 =	simm.s32 $0xC8A0;
	v24 =	vsub.f32 v26, v15;
	v26 =	vld [tilespmem:s9+$0xFFFFFFF0];
	v30 =	vsub.f32 v30, v22;
	v29 =	vmul.f32 v16, v29  }
.LBB2_13:
0x1f0: {  	s7 =	sadd.s32 $0xFFFFFFA0, s12;
	v31 =	vor.u32 s12, v0;
	s8 =	sand.u32 $0x7F0, s14;
	v32 =	vld [tilespmem:s6+$0xB880];
	s6 =	sadd.s32 $0xFFFFFFF0, s11;
	v28 =	vsub.f32 v28, v12  }
0x1f1: {  	s10 =	sadd.s32 $0x4, s10;
	v33 =	vor.u32 s7, v0;
	s6 =	sand.u32 $0x7E0, s6;
	v21 =	vadd.f32 v29, v21;
	v16 =	vmul.f32 v30, v16;
	v29 =	vld [tilespmem:s2+$0xB880];
	s2 =	smov.u32 s8  }
0x1f2: {  	s11 =	smov.u32 s14;
	v30 =	vor.u32 s7, v1;
	p0 =	slt.u32 s10, $0x7C;
	v27 =	vsub.f32 v27, v20;
	v34 =	vld [tilespmem:s6+$0xB880];
	v28 =	vmul.f32 v25, v28  }
0x1f3: {  	v35 =	vor.u32 s7, v2;
	v36 =	vld [tilespmem:s9+$0xFFFFFFE0];
	v22 =	vadd.f32 v16, v22;
	s9 =	sadd.s32 $0x40, s9  }
0x1f4: {  	v37 =	vor.u32 s7, v3;
	s6 =	sadd.s32 $0xFFFFFFC0, s12;
	v25 =	vmul.f32 v27, v25;
	v16 =	vld [tilespmem:s9+$0x0];
	v28 =	vadd.f32 v28, v12  }
0x1f5: {  	v27 =	vor.u32 s6, v0;
	v23 =	vmul.f32 v26, v23;
	v12 =	vld.idx.msk [tilespmem:v31+s4+$0x0], $0xffff;
	v22 =	vsub.f32 v22, v21  }
0x1f6: {  	v24 =	vmul.f32 v24, v26;
	v20 =	vadd.f32 v25, v20;
	v31 =	vld.idx.msk [tilespmem:v33+s4+$0x0], $0xffff;
	v33 =	vor.u32 s6, v4  }
0x1f7: {  	v26 =	vor.u32 s6, v2;
	v23 =	vadd.f32 v23, v14;
	v25 =	vld.idx.msk [tilespmem:v30+s4+$0x0], $0xffff;
	v14 =	vmul.f32 v22, v34  }
0x1f8: {  	v15 =	vadd.f32 v24, v15;
	v30 =	vor.u32 s6, v3;
	s6 =	sadd.s32 $0xFFFFFFE0, s12;
	v20 =	vsub.f32 v20, v28;
	v22 =	vld.idx.msk [tilespmem:v35+s4+$0x0], $0xffff  }
0x1f9: {  	v34 =	vor.u32 s6, v0;
	v18 =	vmul.f32 v18, v36;
	v24 =	vld.idx.msk [tilespmem:v37+s4+$0x0], $0xffff;
	v21 =	vadd.f32 v14, v21  }
0x1fa: {  	v35 =	vsub.f32 v15, v23;
	v20 =	vmul.f32 v20, v29;
	v14 =	vld.idx.msk [tilespmem:v27+s4+$0x0], $0xffff;
	v27 =	vor.u32 s6, v5  }
0x1fb: {  	v36 =	vmul.f32 v36, v17;
	v37 =	vadd.f32 v18, v13;
	v29 =	vld.idx.msk [tilespmem:v33+s4+$0x0], $0xffff;
	v33 =	vor.u32 s6, v2;
	[tilespmem:s1+$0x0] =	vst v21  }
0x1fc: {  	v35 =	vmul.f32 v35, v19;
	v18 =	vadd.f32 v20, v28;
	v15 =	vld.idx.msk [tilespmem:v26+s4+$0x0], $0xffff;
	v26 =	vor.u32 s6, v3  }
0x1fd: {  	v20 =	vor.u32 s12, v6;
	v17 =	vsub.f32 v25, v31;
	v25 =	vadd.f32 v36, v11;
	v11 =	vmovc v31;
	v19 =	vld.idx.msk [tilespmem:v30+s4+$0x0], $0xffff  }
0x1fe: {  	v23 =	vadd.f32 v35, v23;
	v30 =	vor.u32 s12, v2;
	v13 =	vmov v22;
	v21 =	vld.idx.msk [tilespmem:v34+s4+$0x0], $0xffff;
	[tilespmem:s1+$0x10] =	vst v18  }
0x1ff: {  	v18 =	vsub.f32 v24, v13;
	v24 =	vsub.f32 v37, v25;
	v31 =	vld.idx.msk [tilespmem:v27+s4+$0x0], $0xffff;
	v27 =	vor.u32 s12, v3  }
0x200: {  	v22 =	vld.idx.msk [tilespmem:v33+s4+$0x0], $0xffff;
	[tilespmem:s1+$0xFFFFFFF0] =	vst v23  }
0x201: {  	v23 =	vsub.f32 v29, v14;
	v33 =	vld.idx.msk [tilespmem:v26+s4+$0x0], $0xffff;
	v26 =	vmul.f32 v24, v32  }
0x202: {  	v28 =	vld.idx.msk [tilespmem:v20+s4+$0x0], $0xffff  }
.Ltmp5:
0x203: {  	v24 =	vsub.f32 v19, v15;
	v20 =	vld.idx.msk [tilespmem:v30+s4+$0x0], $0xffff;
	v19 =	vadd.f32 v26, v25;
	(pc) =	sbr.rel @p0 .LBB2_13-.Ltmp5, $4  }
0x204: {  	s6 =	sadd.s32 $0xFFFFFFE0, s14;
	v27 =	vld.idx.msk [tilespmem:v27+s4+$0x0], $0xffff  }
0x205: {  	s6 =	sand.u32 $0x7D0, s6;
	v29 =	vsub.f32 v31, v21;
	v25 =	vld [tilespmem:s9+$0x10];
	[tilespmem:s1+$0xFFFFFFE0] =	vst v19  }
0x206: {  	s7 =	sadd.s32 $0xFFFFFFD0, s14;
	s1 =	sadd.s32 $0x40, s1;
	v19 =	vld [tilespmem:s6+$0xB880]  }
0x207: {  	s14 =	sadd.s32 $0x40, s14;
	s12 =	sadd.s32 $0x80, s12;
	s6 =	sand.u32 $0x7C0, s7;
	v29 =	vmul.f32 v16, v29;
	v30 =	vsub.f32 v33, v22;
	v26 =	vld [tilespmem:s9+$0xFFFFFFF0]  }
0x208: {  	v28 =	vsub.f32 v28, v12  }
0x209: {  	v56 =	vld [tilespmem:s9+$0xFFFFFFE0];
	v16 =	vmul.f32 v30, v16;
	v27 =	vsub.f32 v27, v20  }
0x20a: {  	s7 =	sadd.s32 $0xFFFFFFF0, s11;
	v28 =	vmul.f32 v25, v28  }
0x20b: {  	s7 =	sand.u32 $0x7E0, s7;
	v21 =	vadd.f32 v29, v21;
	v16 =	vadd.f32 v16, v22;
	v57 =	vmul.f32 v27, v25  }
0x20c: {  	v58 =	vld [tilespmem:s7+$0xB880];
	v59 =	vadd.f32 v28, v12;
	v23 =	vmul.f32 v26, v23  }
0x20d: {  	v60 =	vld [tilespmem:s2+$0xB880];
	v24 =	vmul.f32 v24, v26;
	v16 =	vsub.f32 v16, v21;
	v61 =	vadd.f32 v57, v20  }
0x20e: {  	v18 =	vmul.f32 v18, v56;
	v17 =	vmul.f32 v56, v17;
	v14 =	vadd.f32 v23, v14  }
0x20f: {  	v62 =	vld [tilespmem:s6+$0xB880];
	v15 =	vadd.f32 v24, v15;
	v20 =	vsub.f32 v61, v59  }
0x210: {  	v13 =	vadd.f32 v18, v13;
	v11 =	vadd.f32 v17, v11  }
0x211: {  	v16 =	vmul.f32 v16, v58;
	v15 =	vsub.f32 v15, v14  }
0x212: {  	v63 =	vmul.f32 v20, v60;
	v13 =	vsub.f32 v13, v11  }
0x213: {  	s25 =	sadd.s32 $0x1, s25;
	v16 =	vadd.f32 v16, v21;
	v15 =	vmul.f32 v15, v19  }
0x214: {  	p0 =	sne.s32 s25, $0x8;
	v12 =	vadd.f32 v63, v59;
	v13 =	vmul.f32 v13, v62  }
.Ltmp6:
0x215: {  	[tilespmem:s1+$0x0] =	vst v16;
	v14 =	vadd.f32 v15, v14;
	(pc) =	sbr.rel @p0 .LBB2_4-.Ltmp6, $4  }
0x216: {  	[tilespmem:s1+$0x10] =	vst v12;
	v11 =	vadd.f32 v13, v11  }
0x217: {  	s30 =	sadd.s32 s28, s21;
	[tilespmem:s1+$0xFFFFFFF0] =	vst v14  }
0x218: {  	s0 =	simm.s32 $0xC880;
	s31 =	sadd.s32 $0x100, s30;
	s7 =	smov.u32 s21;
	[tilespmem:s1+$0xFFFFFFE0] =	vst v11  }
0x219: {  	[hbm4b:s31+s19] =	stream.linear.scatter [tilespmem:s0], [sflag:$0x6], $0x800, $0x38;
	[tilespmem:$0xD080] =	vst v63  }
0x21a: {  	s0 =	simm.s32 $0x5  }
0x21b: {  	_ =	swait.ge [sflag:s0], $0x800  }
0x21c: {  	[sflag:s0] =	ssyncset.done $0x0  }
0x21d: {  	s1 =	simm.s32 $0x6;
	[sflag:s0] =	ssyncadd.s32 $0xFFFFF800  }
0x21e: {  	_ =	swait.ge [sflag:s1], $0x800  }
0x21f: {  	s2 =	rddreg [dreg:$0xe]  }
0x220: {  	s31 =	rddreg [dreg:$0xd];
	s2 =	sadd.s32 $0x1, s2  }
0x221: {  	p0 =	sne.s32 s2, s31  }
.Ltmp7:
0x222: {  	_ = 	snop;
	(pc) =	sbr.rel @p0 .LBB2_1-.Ltmp7, $3  }
0x223: {  	_ =	sdelay $0x1  }
0x224: {  	[sflag:s1] =	ssyncset.done $0x0  }
0x225: {  	[sflag:s1] =	ssyncadd.s32 $0xFFFFF800  }
0x226: {  	_ =	sfence.sel $0x180000  }
0x227: {  	[bflag:$0x0] =	sbarrier.arrive $0xFFFF  }
0x228: {  	_ =	strace $0x90000047  }
0x229: {  	s0 =	stileid.u32;
	[bflag:$0x2] =	sbarrier.arrive $0xFFFF  }
0x22a: {  	p0 =	sne.s32 s0, $0x0;
	s0 =	rddreg [dreg:$0x5]  }
0x22b: {  	s0 =	sadd.s32 @!p0 $0x100000, s0  }
0x22c: {  	[sflag:s0] =	ssyncadd.tile.s32 @!p0 $0x1;
	_ =	shalt  }
.Lfunc_end2:
_tile_overlayer_lowered:
.L_overlay_start_2:
0x22d: {  	(tag) =	ssettag $0x2  }
0x22e: {  	s0 =	rddreg [dreg:$0x0];
	s2 =	stileid.u32  }
0x22f: {  	s1 =	rddreg [dreg:$0x1];
	p0 =	sne.s32 s2, $0x0  }
0x230: {  	s3 =	rddreg [dreg:$0x2];
	[bflag:$0x3] =	sbarrier.arrive $0xFFFF;
	s2 =	simm.s32 @!p0 $0x1C07  }
0x231: {  	[timem:s3], [sflag:s2] =	dma.local @!p0 [hbm:s0], s1  }
0x232: {  	s0 =	simm.s32 @!p0 $0x7  }
0x233: {  	_ =	swait.ge @!p0 [sflag:s0], s1  }
0x234: {  	s1 =	ssub.s32 @!p0 $0x0, s1;
	[sflag:s0] =	ssyncset.done @!p0 $0x0  }
0x235: {  	[sflag:s0] =	ssyncadd.s32 @!p0 s1  }
0x236: {  	[bflag:$0x3] =	sbarrier.arrive $0xFFFF  }
0x237: {  	_ =	shalt  }

</sc_bundles>
